<compile_context>
chip_gen: v7x
topology: tpu7x:2x2x1
jax: 0.10.2.dev20260603
libtpu: 0.0.44.dev20260713+nightly
codegen_flags: <defaults>
</compile_context>

<pallas_src>
import functools

import jax
import jax.numpy as jnp
from jax import lax
from jax.experimental import pallas as pl
from jax.experimental.pallas import tpu as pltpu
from jax.experimental.pallas import tpu_sc as plsc

NODE_NUM = 1000000
EMB_DIM = 32
BATCH = 4096
HIST = 50

NC = 2
NS = 16
NW = NC * NS
BPW = BATCH // NW

INFLIGHT = 16


def _sc_body(table_hbm, idxt_hbm, out_hbm, idx_v, acc_v, out_v, sem):
  wid = lax.axis_index("s") * NC + lax.axis_index("c")
  base = wid * BPW

  pltpu.sync_copy(idxt_hbm.at[:, pl.ds(base, BPW)], idx_v)

  zeros = jnp.zeros((16,), jnp.float32)

  def zbody(b, c):
    acc_v[b, pl.ds(0, 16)] = zeros
    acc_v[b, pl.ds(16, 16)] = zeros
    return c
  lax.fori_loop(0, BPW, zbody, 0, unroll=8)

  def gather_add(j):
    pltpu.async_copy(table_hbm.at[idx_v.at[j]], acc_v, sem, add=True)

  def drain_one():
    pltpu.make_async_copy(table_hbm.at[idx_v.at[0]], acc_v, sem).wait()

  for j in range(INFLIGHT):
    gather_add(j)
  for j in range(INFLIGHT, HIST):
    drain_one()
    gather_add(j)
  for _ in range(INFLIGHT):
    drain_one()

  scale = jnp.float32(1.0 / HIST)

  def finish(b, c):
    out_v[b, pl.ds(0, 16)] = acc_v[b, pl.ds(0, 16)] * scale
    out_v[b, pl.ds(16, 16)] = acc_v[b, pl.ds(16, 16)] * scale
    return c
  lax.fori_loop(0, BPW, finish, 0, unroll=8)

  pltpu.sync_copy(out_v, out_hbm.at[pl.ds(base, BPW)])


@jax.jit
def _graph_encode(data, table):
  idxt = data.T

  mesh = plsc.VectorSubcoreMesh(
      core_axis_name="c", subcore_axis_name="s", num_cores=NC, num_subcores=NS)
  k = pl.kernel(
      _sc_body,
      out_type=jax.ShapeDtypeStruct((BATCH, EMB_DIM), jnp.float32),
      mesh=mesh,
      scratch_types=[
          pltpu.VMEM((HIST, BPW), jnp.int32),
          pltpu.VMEM((BPW, EMB_DIM), jnp.float32),
          pltpu.VMEM((BPW, EMB_DIM), jnp.float32),
          pltpu.SemaphoreType.DMA,
      ],
      compiler_params=pltpu.CompilerParams(use_tc_tiling_on_sc=False),
  )
  return k(table, idxt)


def kernel(data, table):
  return _graph_encode(data, table)

# --- scband reference (transcript-rebuilt; emitter-appended) ---
"""Pipeline reference for scband-graph-encoder-66623532696172 (READ-ONLY COPY).

The authoritative reference and input builder live on the scoring server;
editing this copy changes nothing except your own understanding.
"""

import jax, jax.numpy as jnp
import numpy as np

NODE_NUM = 1000000
EMB_DIM = 32
BATCH = 4096
HIST = 50

def setup_inputs(seed: int = 0) -> dict:
    key = jax.random.key(seed)
    k1, k2 = jax.random.split(key)
    data = jax.random.randint(k1, (BATCH, HIST), 0, NODE_NUM, dtype=jnp.int64 if jax.config.jax_enable_x64 else jnp.int32).astype(jnp.int32)
    table = jax.random.normal(k2, (NODE_NUM, EMB_DIM), dtype=jnp.float32)
    return {"data": data, "table": table}

def reference(data, table):
    # Each row of `data` is a set of node ids; embed and mean-pool over the set,
    # matching torch: stack([mean(emb(i), dim=0) for i in data]).
    emb = jnp.take(table, data, axis=0)  # [B, L, D] gather
    graph_feature = jnp.mean(emb, axis=1)  # [B, D]
    return graph_feature

if __name__ == "__main__":
    import jax
    _d = setup_inputs()
    print(jax.jit(kernel)(*tuple(_d.values())))

</pallas_src>

<mosaic_0001>
#map = affine_map<(d0, d1) -> (0, 0)>
module attributes {stable_mosaic.version = 14 : i64} {
  func.func @_sc_body(%arg0: i32, %arg1: i32, %arg2: memref<1000000x32xf32, #tpu.memory_space<hbm>>, %arg3: memref<50x4096xi32, #tpu.memory_space<hbm>>, %arg4: memref<4096x32xf32, #tpu.memory_space<hbm>>, %arg5: memref<50x128xi32, #tpu.memory_space<vmem>>, %arg6: memref<128x32xf32, #tpu.memory_space<vmem>>, %arg7: memref<128x32xf32, #tpu.memory_space<vmem>>, %arg8: memref<!tpu.dma_semaphore, #tpu.memory_space<semaphore_mem>>) attributes {dimension_semantics = [#tpu.dimension_semantics<core_parallel>, #tpu.dimension_semantics<subcore_parallel>], iteration_bounds = array<i64: 2, 16>, scalar_prefetch = 0 : i64, scratch_operands = 4 : i64, tpu.core_type = #tpu.core_type<sc_vector_subcore>, window_params = [{transform_indices = #map}, {transform_indices = #map}, {transform_indices = #map}]} {
    %mul3A = arith.constant 2 : i32
    %mul3A_0 = arith.muli %arg1, %mul3A : i32
    %add3A = arith.addi %mul3A_0, %arg0 : i32
    %mul3A_1 = arith.constant 128 : i32
    %mul3A_2 = arith.muli %add3A, %mul3A_1 : i32
    "tpu.region"() ({
      %run_scoped3A = tpu.sem_alloc : memref<!tpu.dma_semaphore, #tpu.memory_space<semaphore_mem>>
      %dma_start3A_714 = arith.constant 0 : i32
      %dma_start3A_715 = tpu.memref_slice %arg3[%dma_start3A_714, %mul3A_2] : memref<50x4096xi32, #tpu.memory_space<hbm>> -> memref<50x128xi32, #tpu.memory_space<hbm>>
      %dma_start3A_716 = arith.constant 0 : i32
      %dma_start3A_717 = tpu.memref_slice %arg3[%dma_start3A_716, %mul3A_2] : memref<50x4096xi32, #tpu.memory_space<hbm>> -> memref<50x128xi32, #tpu.memory_space<hbm>>
      tpu.enqueue_dma source(%dma_start3A_717 : memref<50x128xi32, #tpu.memory_space<hbm>>) target(%arg5 : memref<50x128xi32, #tpu.memory_space<vmem>>) target_semaphore(%run_scoped3A : memref<!tpu.dma_semaphore, #tpu.memory_space<semaphore_mem>>)
      %dma_wait3A_718 = arith.constant 0 : i32
      %dma_wait3A_719 = tpu.memref_slice %arg3[%dma_wait3A_718, %mul3A_2] : memref<50x4096xi32, #tpu.memory_space<hbm>> -> memref<50x128xi32, #tpu.memory_space<hbm>>
      %dma_wait3A_720 = arith.constant 0 : i32
      %dma_wait3A_721 = tpu.memref_slice %arg3[%dma_wait3A_720, %mul3A_2] : memref<50x4096xi32, #tpu.memory_space<hbm>> -> memref<50x128xi32, #tpu.memory_space<hbm>>
      tpu.wait_dma2 semaphore(%run_scoped3A : memref<!tpu.dma_semaphore, #tpu.memory_space<semaphore_mem>>) src(%dma_wait3A_721 : memref<50x128xi32, #tpu.memory_space<hbm>>) dst(%arg5 : memref<50x128xi32, #tpu.memory_space<vmem>>)
      tpu.yield
    }) : () -> ()
    %broadcast_in_dim3A = arith.constant 0.000000e+00 : f32
    %broadcast_in_dim3A_3 = vector.broadcast %broadcast_in_dim3A : f32 to vector<16xf32>
    %scan3A = arith.constant 0 : i32
    %scan3A_4 = arith.constant 0 : i32
    %scan3A_5 = arith.constant 128 : i32
    %scan3A_6 = arith.addi %scan3A_4, %scan3A_5 : i32
    %scan3A_7 = arith.constant 8 : i32
    scf.for %scan3A_714 = %scan3A_4 to %scan3A_6 step %scan3A_7  : i32 {
      %swap3A = arith.index_cast %scan3A_714 : i32 to index
      %swap3A_715 = arith.constant 0 : index
      %swap3A_716 = tpu.vector_load %arg6[%swap3A, %swap3A_715] {strides = array<i32>} : memref<128x32xf32, #tpu.memory_space<vmem>>, vector<1x16xf32>,
      %swap3A_717 = vector.shape_cast %swap3A_716 : vector<1x16xf32> to vector<16xf32>
      %swap3A_718 = vector.shape_cast %broadcast_in_dim3A_3 : vector<16xf32> to vector<1x16xf32>
      tpu.vector_store %arg6[%swap3A, %swap3A_715], %swap3A_718 {strides = array<i32>} : memref<128x32xf32, #tpu.memory_space<vmem>>, vector<1x16xf32>,
      %swap3A_719 = arith.index_cast %scan3A_714 : i32 to index
      %swap3A_720 = arith.constant 16 : index
      %swap3A_721 = tpu.vector_load %arg6[%swap3A_719, %swap3A_720] {strides = array<i32>} : memref<128x32xf32, #tpu.memory_space<vmem>>, vector<1x16xf32>,
      %swap3A_722 = vector.shape_cast %swap3A_721 : vector<1x16xf32> to vector<16xf32>
      %swap3A_723 = vector.shape_cast %broadcast_in_dim3A_3 : vector<16xf32> to vector<1x16xf32>
      tpu.vector_store %arg6[%swap3A_719, %swap3A_720], %swap3A_723 {strides = array<i32>} : memref<128x32xf32, #tpu.memory_space<vmem>>, vector<1x16xf32>,
      %scan3A_724 = arith.constant 1 : i32
      %scan3A_725 = arith.addi %scan3A_714, %scan3A_724 : i32
      %swap3A_726 = arith.index_cast %scan3A_725 : i32 to index
      %swap3A_727 = arith.constant 0 : index
      %swap3A_728 = tpu.vector_load %arg6[%swap3A_726, %swap3A_727] {strides = array<i32>} : memref<128x32xf32, #tpu.memory_space<vmem>>, vector<1x16xf32>,
      %swap3A_729 = vector.shape_cast %swap3A_728 : vector<1x16xf32> to vector<16xf32>
      %swap3A_730 = vector.shape_cast %broadcast_in_dim3A_3 : vector<16xf32> to vector<1x16xf32>
      tpu.vector_store %arg6[%swap3A_726, %swap3A_727], %swap3A_730 {strides = array<i32>} : memref<128x32xf32, #tpu.memory_space<vmem>>, vector<1x16xf32>,
      %swap3A_731 = arith.index_cast %scan3A_725 : i32 to index
      %swap3A_732 = arith.constant 16 : index
      %swap3A_733 = tpu.vector_load %arg6[%swap3A_731, %swap3A_732] {strides = array<i32>} : memref<128x32xf32, #tpu.memory_space<vmem>>, vector<1x16xf32>,
      %swap3A_734 = vector.shape_cast %swap3A_733 : vector<1x16xf32> to vector<16xf32>
      %swap3A_735 = vector.shape_cast %broadcast_in_dim3A_3 : vector<16xf32> to vector<1x16xf32>
      tpu.vector_store %arg6[%swap3A_731, %swap3A_732], %swap3A_735 {strides = array<i32>} : memref<128x32xf32, #tpu.memory_space<vmem>>, vector<1x16xf32>,
      %scan3A_736 = arith.constant 2 : i32
      %scan3A_737 = arith.addi %scan3A_714, %scan3A_736 : i32
      %swap3A_738 = arith.index_cast %scan3A_737 : i32 to index
      %swap3A_739 = arith.constant 0 : index
      %swap3A_740 = tpu.vector_load %arg6[%swap3A_738, %swap3A_739] {strides = array<i32>} : memref<128x32xf32, #tpu.memory_space<vmem>>, vector<1x16xf32>,
      %swap3A_741 = vector.shape_cast %swap3A_740 : vector<1x16xf32> to vector<16xf32>
      %swap3A_742 = vector.shape_cast %broadcast_in_dim3A_3 : vector<16xf32> to vector<1x16xf32>
      tpu.vector_store %arg6[%swap3A_738, %swap3A_739], %swap3A_742 {strides = array<i32>} : memref<128x32xf32, #tpu.memory_space<vmem>>, vector<1x16xf32>,
      %swap3A_743 = arith.index_cast %scan3A_737 : i32 to index
      %swap3A_744 = arith.constant 16 : index
      %swap3A_745 = tpu.vector_load %arg6[%swap3A_743, %swap3A_744] {strides = array<i32>} : memref<128x32xf32, #tpu.memory_space<vmem>>, vector<1x16xf32>,
      %swap3A_746 = vector.shape_cast %swap3A_745 : vector<1x16xf32> to vector<16xf32>
      %swap3A_747 = vector.shape_cast %broadcast_in_dim3A_3 : vector<16xf32> to vector<1x16xf32>
      tpu.vector_store %arg6[%swap3A_743, %swap3A_744], %swap3A_747 {strides = array<i32>} : memref<128x32xf32, #tpu.memory_space<vmem>>, vector<1x16xf32>,
      %scan3A_748 = arith.constant 3 : i32
      %scan3A_749 = arith.addi %scan3A_714, %scan3A_748 : i32
      %swap3A_750 = arith.index_cast %scan3A_749 : i32 to index
      %swap3A_751 = arith.constant 0 : index
      %swap3A_752 = tpu.vector_load %arg6[%swap3A_750, %swap3A_751] {strides = array<i32>} : memref<128x32xf32, #tpu.memory_space<vmem>>, vector<1x16xf32>,
      %swap3A_753 = vector.shape_cast %swap3A_752 : vector<1x16xf32> to vector<16xf32>
      %swap3A_754 = vector.shape_cast %broadcast_in_dim3A_3 : vector<16xf32> to vector<1x16xf32>
      tpu.vector_store %arg6[%swap3A_750, %swap3A_751], %swap3A_754 {strides = array<i32>} : memref<128x32xf32, #tpu.memory_space<vmem>>, vector<1x16xf32>,
      %swap3A_755 = arith.index_cast %scan3A_749 : i32 to index
      %swap3A_756 = arith.constant 16 : index
      %swap3A_757 = tpu.vector_load %arg6[%swap3A_755, %swap3A_756] {strides = array<i32>} : memref<128x32xf32, #tpu.memory_space<vmem>>, vector<1x16xf32>,
      %swap3A_758 = vector.shape_cast %swap3A_757 : vector<1x16xf32> to vector<16xf32>
      %swap3A_759 = vector.shape_cast %broadcast_in_dim3A_3 : vector<16xf32> to vector<1x16xf32>
      tpu.vector_store %arg6[%swap3A_755, %swap3A_756], %swap3A_759 {strides = array<i32>} : memref<128x32xf32, #tpu.memory_space<vmem>>, vector<1x16xf32>,
      %scan3A_760 = arith.constant 4 : i32
      %scan3A_761 = arith.addi %scan3A_714, %scan3A_760 : i32
      %swap3A_762 = arith.index_cast %scan3A_761 : i32 to index
      %swap3A_763 = arith.constant 0 : index
      %swap3A_764 = tpu.vector_load %arg6[%swap3A_762, %swap3A_763] {strides = array<i32>} : memref<128x32xf32, #tpu.memory_space<vmem>>, vector<1x16xf32>,
      %swap3A_765 = vector.shape_cast %swap3A_764 : vector<1x16xf32> to vector<16xf32>
      %swap3A_766 = vector.shape_cast %broadcast_in_dim3A_3 : vector<16xf32> to vector<1x16xf32>
      tpu.vector_store %arg6[%swap3A_762, %swap3A_763], %swap3A_766 {strides = array<i32>} : memref<128x32xf32, #tpu.memory_space<vmem>>, vector<1x16xf32>,
      %swap3A_767 = arith.index_cast %scan3A_761 : i32 to index
      %swap3A_768 = arith.constant 16 : index
      %swap3A_769 = tpu.vector_load %arg6[%swap3A_767, %swap3A_768] {strides = array<i32>} : memref<128x32xf32, #tpu.memory_space<vmem>>, vector<1x16xf32>,
      %swap3A_770 = vector.shape_cast %swap3A_769 : vector<1x16xf32> to vector<16xf32>
      %swap3A_771 = vector.shape_cast %broadcast_in_dim3A_3 : vector<16xf32> to vector<1x16xf32>
      tpu.vector_store %arg6[%swap3A_767, %swap3A_768], %swap3A_771 {strides = array<i32>} : memref<128x32xf32, #tpu.memory_space<vmem>>, vector<1x16xf32>,
      %scan3A_772 = arith.constant 5 : i32
      %scan3A_773 = arith.addi %scan3A_714, %scan3A_772 : i32
      %swap3A_774 = arith.index_cast %scan3A_773 : i32 to index
      %swap3A_775 = arith.constant 0 : index
      %swap3A_776 = tpu.vector_load %arg6[%swap3A_774, %swap3A_775] {strides = array<i32>} : memref<128x32xf32, #tpu.memory_space<vmem>>, vector<1x16xf32>,
      %swap3A_777 = vector.shape_cast %swap3A_776 : vector<1x16xf32> to vector<16xf32>
      %swap3A_778 = vector.shape_cast %broadcast_in_dim3A_3 : vector<16xf32> to vector<1x16xf32>
      tpu.vector_store %arg6[%swap3A_774, %swap3A_775], %swap3A_778 {strides = array<i32>} : memref<128x32xf32, #tpu.memory_space<vmem>>, vector<1x16xf32>,
      %swap3A_779 = arith.index_cast %scan3A_773 : i32 to index
      %swap3A_780 = arith.constant 16 : index
      %swap3A_781 = tpu.vector_load %arg6[%swap3A_779, %swap3A_780] {strides = array<i32>} : memref<128x32xf32, #tpu.memory_space<vmem>>, vector<1x16xf32>,
      %swap3A_782 = vector.shape_cast %swap3A_781 : vector<1x16xf32> to vector<16xf32>
      %swap3A_783 = vector.shape_cast %broadcast_in_dim3A_3 : vector<16xf32> to vector<1x16xf32>
      tpu.vector_store %arg6[%swap3A_779, %swap3A_780], %swap3A_783 {strides = array<i32>} : memref<128x32xf32, #tpu.memory_space<vmem>>, vector<1x16xf32>,
      %scan3A_784 = arith.constant 6 : i32
      %scan3A_785 = arith.addi %scan3A_714, %scan3A_784 : i32
      %swap3A_786 = arith.index_cast %scan3A_785 : i32 to index
      %swap3A_787 = arith.constant 0 : index
      %swap3A_788 = tpu.vector_load %arg6[%swap3A_786, %swap3A_787] {strides = array<i32>} : memref<128x32xf32, #tpu.memory_space<vmem>>, vector<1x16xf32>,
      %swap3A_789 = vector.shape_cast %swap3A_788 : vector<1x16xf32> to vector<16xf32>
      %swap3A_790 = vector.shape_cast %broadcast_in_dim3A_3 : vector<16xf32> to vector<1x16xf32>
      tpu.vector_store %arg6[%swap3A_786, %swap3A_787], %swap3A_790 {strides = array<i32>} : memref<128x32xf32, #tpu.memory_space<vmem>>, vector<1x16xf32>,
      %swap3A_791 = arith.index_cast %scan3A_785 : i32 to index
      %swap3A_792 = arith.constant 16 : index
      %swap3A_793 = tpu.vector_load %arg6[%swap3A_791, %swap3A_792] {strides = array<i32>} : memref<128x32xf32, #tpu.memory_space<vmem>>, vector<1x16xf32>,
      %swap3A_794 = vector.shape_cast %swap3A_793 : vector<1x16xf32> to vector<16xf32>
      %swap3A_795 = vector.shape_cast %broadcast_in_dim3A_3 : vector<16xf32> to vector<1x16xf32>
      tpu.vector_store %arg6[%swap3A_791, %swap3A_792], %swap3A_795 {strides = array<i32>} : memref<128x32xf32, #tpu.memory_space<vmem>>, vector<1x16xf32>,
      %scan3A_796 = arith.constant 7 : i32
      %scan3A_797 = arith.addi %scan3A_714, %scan3A_796 : i32
      %swap3A_798 = arith.index_cast %scan3A_797 : i32 to index
      %swap3A_799 = arith.constant 0 : index
      %swap3A_800 = tpu.vector_load %arg6[%swap3A_798, %swap3A_799] {strides = array<i32>} : memref<128x32xf32, #tpu.memory_space<vmem>>, vector<1x16xf32>,
      %swap3A_801 = vector.shape_cast %swap3A_800 : vector<1x16xf32> to vector<16xf32>
      %swap3A_802 = vector.shape_cast %broadcast_in_dim3A_3 : vector<16xf32> to vector<1x16xf32>
      tpu.vector_store %arg6[%swap3A_798, %swap3A_799], %swap3A_802 {strides = array<i32>} : memref<128x32xf32, #tpu.memory_space<vmem>>, vector<1x16xf32>,
      %swap3A_803 = arith.index_cast %scan3A_797 : i32 to index
      %swap3A_804 = arith.constant 16 : index
      %swap3A_805 = tpu.vector_load %arg6[%swap3A_803, %swap3A_804] {strides = array<i32>} : memref<128x32xf32, #tpu.memory_space<vmem>>, vector<1x16xf32>,
      %swap3A_806 = vector.shape_cast %swap3A_805 : vector<1x16xf32> to vector<16xf32>
      %swap3A_807 = vector.shape_cast %broadcast_in_dim3A_3 : vector<16xf32> to vector<1x16xf32>
      tpu.vector_store %arg6[%swap3A_803, %swap3A_804], %swap3A_807 {strides = array<i32>} : memref<128x32xf32, #tpu.memory_space<vmem>>, vector<1x16xf32>,
    }
    %scan3A_8 = arith.constant 128 : i32
    %dma_start3A = arith.constant 0 : i32
    %dma_start3A_9 = arith.constant 0 : i32
    %dma_start3A_10 = tpu.memref_slice %arg5[%dma_start3A, %dma_start3A_9] : memref<50x128xi32, #tpu.memory_space<vmem>> -> memref<1x128xi32, #tpu.memory_space<vmem>>
    %dma_start3A_11 = tpu.memref_squeeze %dma_start3A_10 : memref<1x128xi32, #tpu.memory_space<vmem>> -> memref<128xi32, #tpu.memory_space<vmem>>
    %dma_start3A_12 = arith.constant 0 : i32
    %dma_start3A_13 = arith.constant 0 : i32
    %dma_start3A_14 = tpu.memref_slice %arg2[%dma_start3A_12, %dma_start3A_13] : memref<1000000x32xf32, #tpu.memory_space<hbm>> -> memref<1000000x32xf32, #tpu.memory_space<hbm>>
    tpu.enqueue_indirect_dma source(%dma_start3A_14 : memref<1000000x32xf32, #tpu.memory_space<hbm>>) target(%arg6 : memref<128x32xf32, #tpu.memory_space<vmem>>) offsets(%dma_start3A_11 : memref<128xi32, #tpu.memory_space<vmem>>) semaphore(%arg8 : memref<!tpu.dma_semaphore, #tpu.memory_space<semaphore_mem>>) {add = true}
    %dma_start3A_15 = arith.constant 1 : i32
    %dma_start3A_16 = arith.constant 0 : i32
    %dma_start3A_17 = tpu.memref_slice %arg5[%dma_start3A_15, %dma_start3A_16] : memref<50x128xi32, #tpu.memory_space<vmem>> -> memref<1x128xi32, #tpu.memory_space<vmem>>
    %dma_start3A_18 = tpu.memref_squeeze %dma_start3A_17 : memref<1x128xi32, #tpu.memory_space<vmem>> -> memref<128xi32, #tpu.memory_space<vmem>>
    %dma_start3A_19 = arith.constant 0 : i32
    %dma_start3A_20 = arith.constant 0 : i32
    %dma_start3A_21 = tpu.memref_slice %arg2[%dma_start3A_19, %dma_start3A_20] : memref<1000000x32xf32, #tpu.memory_space<hbm>> -> memref<1000000x32xf32, #tpu.memory_space<hbm>>
    tpu.enqueue_indirect_dma source(%dma_start3A_21 : memref<1000000x32xf32, #tpu.memory_space<hbm>>) target(%arg6 : memref<128x32xf32, #tpu.memory_space<vmem>>) offsets(%dma_start3A_18 : memref<128xi32, #tpu.memory_space<vmem>>) semaphore(%arg8 : memref<!tpu.dma_semaphore, #tpu.memory_space<semaphore_mem>>) {add = true}
    %dma_start3A_22 = arith.constant 2 : i32
    %dma_start3A_23 = arith.constant 0 : i32
    %dma_start3A_24 = tpu.memref_slice %arg5[%dma_start3A_22, %dma_start3A_23] : memref<50x128xi32, #tpu.memory_space<vmem>> -> memref<1x128xi32, #tpu.memory_space<vmem>>
    %dma_start3A_25 = tpu.memref_squeeze %dma_start3A_24 : memref<1x128xi32, #tpu.memory_space<vmem>> -> memref<128xi32, #tpu.memory_space<vmem>>
    %dma_start3A_26 = arith.constant 0 : i32
    %dma_start3A_27 = arith.constant 0 : i32
    %dma_start3A_28 = tpu.memref_slice %arg2[%dma_start3A_26, %dma_start3A_27] : memref<1000000x32xf32, #tpu.memory_space<hbm>> -> memref<1000000x32xf32, #tpu.memory_space<hbm>>
    tpu.enqueue_indirect_dma source(%dma_start3A_28 : memref<1000000x32xf32, #tpu.memory_space<hbm>>) target(%arg6 : memref<128x32xf32, #tpu.memory_space<vmem>>) offsets(%dma_start3A_25 : memref<128xi32, #tpu.memory_space<vmem>>) semaphore(%arg8 : memref<!tpu.dma_semaphore, #tpu.memory_space<semaphore_mem>>) {add = true}
    %dma_start3A_29 = arith.constant 3 : i32
    %dma_start3A_30 = arith.constant 0 : i32
    %dma_start3A_31 = tpu.memref_slice %arg5[%dma_start3A_29, %dma_start3A_30] : memref<50x128xi32, #tpu.memory_space<vmem>> -> memref<1x128xi32, #tpu.memory_space<vmem>>
    %dma_start3A_32 = tpu.memref_squeeze %dma_start3A_31 : memref<1x128xi32, #tpu.memory_space<vmem>> -> memref<128xi32, #tpu.memory_space<vmem>>
    %dma_start3A_33 = arith.constant 0 : i32
    %dma_start3A_34 = arith.constant 0 : i32
    %dma_start3A_35 = tpu.memref_slice %arg2[%dma_start3A_33, %dma_start3A_34] : memref<1000000x32xf32, #tpu.memory_space<hbm>> -> memref<1000000x32xf32, #tpu.memory_space<hbm>>
    tpu.enqueue_indirect_dma source(%dma_start3A_35 : memref<1000000x32xf32, #tpu.memory_space<hbm>>) target(%arg6 : memref<128x32xf32, #tpu.memory_space<vmem>>) offsets(%dma_start3A_32 : memref<128xi32, #tpu.memory_space<vmem>>) semaphore(%arg8 : memref<!tpu.dma_semaphore, #tpu.memory_space<semaphore_mem>>) {add = true}
    %dma_start3A_36 = arith.constant 4 : i32
    %dma_start3A_37 = arith.constant 0 : i32
    %dma_start3A_38 = tpu.memref_slice %arg5[%dma_start3A_36, %dma_start3A_37] : memref<50x128xi32, #tpu.memory_space<vmem>> -> memref<1x128xi32, #tpu.memory_space<vmem>>
    %dma_start3A_39 = tpu.memref_squeeze %dma_start3A_38 : memref<1x128xi32, #tpu.memory_space<vmem>> -> memref<128xi32, #tpu.memory_space<vmem>>
    %dma_start3A_40 = arith.constant 0 : i32
    %dma_start3A_41 = arith.constant 0 : i32
    %dma_start3A_42 = tpu.memref_slice %arg2[%dma_start3A_40, %dma_start3A_41] : memref<1000000x32xf32, #tpu.memory_space<hbm>> -> memref<1000000x32xf32, #tpu.memory_space<hbm>>
    tpu.enqueue_indirect_dma source(%dma_start3A_42 : memref<1000000x32xf32, #tpu.memory_space<hbm>>) target(%arg6 : memref<128x32xf32, #tpu.memory_space<vmem>>) offsets(%dma_start3A_39 : memref<128xi32, #tpu.memory_space<vmem>>) semaphore(%arg8 : memref<!tpu.dma_semaphore, #tpu.memory_space<semaphore_mem>>) {add = true}
    %dma_start3A_43 = arith.constant 5 : i32
    %dma_start3A_44 = arith.constant 0 : i32
    %dma_start3A_45 = tpu.memref_slice %arg5[%dma_start3A_43, %dma_start3A_44] : memref<50x128xi32, #tpu.memory_space<vmem>> -> memref<1x128xi32, #tpu.memory_space<vmem>>
    %dma_start3A_46 = tpu.memref_squeeze %dma_start3A_45 : memref<1x128xi32, #tpu.memory_space<vmem>> -> memref<128xi32, #tpu.memory_space<vmem>>
    %dma_start3A_47 = arith.constant 0 : i32
    %dma_start3A_48 = arith.constant 0 : i32
    %dma_start3A_49 = tpu.memref_slice %arg2[%dma_start3A_47, %dma_start3A_48] : memref<1000000x32xf32, #tpu.memory_space<hbm>> -> memref<1000000x32xf32, #tpu.memory_space<hbm>>
    tpu.enqueue_indirect_dma source(%dma_start3A_49 : memref<1000000x32xf32, #tpu.memory_space<hbm>>) target(%arg6 : memref<128x32xf32, #tpu.memory_space<vmem>>) offsets(%dma_start3A_46 : memref<128xi32, #tpu.memory_space<vmem>>) semaphore(%arg8 : memref<!tpu.dma_semaphore, #tpu.memory_space<semaphore_mem>>) {add = true}
    %dma_start3A_50 = arith.constant 6 : i32
    %dma_start3A_51 = arith.constant 0 : i32
    %dma_start3A_52 = tpu.memref_slice %arg5[%dma_start3A_50, %dma_start3A_51] : memref<50x128xi32, #tpu.memory_space<vmem>> -> memref<1x128xi32, #tpu.memory_space<vmem>>
    %dma_start3A_53 = tpu.memref_squeeze %dma_start3A_52 : memref<1x128xi32, #tpu.memory_space<vmem>> -> memref<128xi32, #tpu.memory_space<vmem>>
    %dma_start3A_54 = arith.constant 0 : i32
    %dma_start3A_55 = arith.constant 0 : i32
    %dma_start3A_56 = tpu.memref_slice %arg2[%dma_start3A_54, %dma_start3A_55] : memref<1000000x32xf32, #tpu.memory_space<hbm>> -> memref<1000000x32xf32, #tpu.memory_space<hbm>>
    tpu.enqueue_indirect_dma source(%dma_start3A_56 : memref<1000000x32xf32, #tpu.memory_space<hbm>>) target(%arg6 : memref<128x32xf32, #tpu.memory_space<vmem>>) offsets(%dma_start3A_53 : memref<128xi32, #tpu.memory_space<vmem>>) semaphore(%arg8 : memref<!tpu.dma_semaphore, #tpu.memory_space<semaphore_mem>>) {add = true}
    %dma_start3A_57 = arith.constant 7 : i32
    %dma_start3A_58 = arith.constant 0 : i32
    %dma_start3A_59 = tpu.memref_slice %arg5[%dma_start3A_57, %dma_start3A_58] : memref<50x128xi32, #tpu.memory_space<vmem>> -> memref<1x128xi32, #tpu.memory_space<vmem>>
    %dma_start3A_60 = tpu.memref_squeeze %dma_start3A_59 : memref<1x128xi32, #tpu.memory_space<vmem>> -> memref<128xi32, #tpu.memory_space<vmem>>
    %dma_start3A_61 = arith.constant 0 : i32
    %dma_start3A_62 = arith.constant 0 : i32
    %dma_start3A_63 = tpu.memref_slice %arg2[%dma_start3A_61, %dma_start3A_62] : memref<1000000x32xf32, #tpu.memory_space<hbm>> -> memref<1000000x32xf32, #tpu.memory_space<hbm>>
    tpu.enqueue_indirect_dma source(%dma_start3A_63 : memref<1000000x32xf32, #tpu.memory_space<hbm>>) target(%arg6 : memref<128x32xf32, #tpu.memory_space<vmem>>) offsets(%dma_start3A_60 : memref<128xi32, #tpu.memory_space<vmem>>) semaphore(%arg8 : memref<!tpu.dma_semaphore, #tpu.memory_space<semaphore_mem>>) {add = true}
    %dma_start3A_64 = arith.constant 8 : i32
    %dma_start3A_65 = arith.constant 0 : i32
    %dma_start3A_66 = tpu.memref_slice %arg5[%dma_start3A_64, %dma_start3A_65] : memref<50x128xi32, #tpu.memory_space<vmem>> -> memref<1x128xi32, #tpu.memory_space<vmem>>
    %dma_start3A_67 = tpu.memref_squeeze %dma_start3A_66 : memref<1x128xi32, #tpu.memory_space<vmem>> -> memref<128xi32, #tpu.memory_space<vmem>>
    %dma_start3A_68 = arith.constant 0 : i32
    %dma_start3A_69 = arith.constant 0 : i32
    %dma_start3A_70 = tpu.memref_slice %arg2[%dma_start3A_68, %dma_start3A_69] : memref<1000000x32xf32, #tpu.memory_space<hbm>> -> memref<1000000x32xf32, #tpu.memory_space<hbm>>
    tpu.enqueue_indirect_dma source(%dma_start3A_70 : memref<1000000x32xf32, #tpu.memory_space<hbm>>) target(%arg6 : memref<128x32xf32, #tpu.memory_space<vmem>>) offsets(%dma_start3A_67 : memref<128xi32, #tpu.memory_space<vmem>>) semaphore(%arg8 : memref<!tpu.dma_semaphore, #tpu.memory_space<semaphore_mem>>) {add = true}
    %dma_start3A_71 = arith.constant 9 : i32
    %dma_start3A_72 = arith.constant 0 : i32
    %dma_start3A_73 = tpu.memref_slice %arg5[%dma_start3A_71, %dma_start3A_72] : memref<50x128xi32, #tpu.memory_space<vmem>> -> memref<1x128xi32, #tpu.memory_space<vmem>>
    %dma_start3A_74 = tpu.memref_squeeze %dma_start3A_73 : memref<1x128xi32, #tpu.memory_space<vmem>> -> memref<128xi32, #tpu.memory_space<vmem>>
    %dma_start3A_75 = arith.constant 0 : i32
    %dma_start3A_76 = arith.constant 0 : i32
    %dma_start3A_77 = tpu.memref_slice %arg2[%dma_start3A_75, %dma_start3A_76] : memref<1000000x32xf32, #tpu.memory_space<hbm>> -> memref<1000000x32xf32, #tpu.memory_space<hbm>>
    tpu.enqueue_indirect_dma source(%dma_start3A_77 : memref<1000000x32xf32, #tpu.memory_space<hbm>>) target(%arg6 : memref<128x32xf32, #tpu.memory_space<vmem>>) offsets(%dma_start3A_74 : memref<128xi32, #tpu.memory_space<vmem>>) semaphore(%arg8 : memref<!tpu.dma_semaphore, #tpu.memory_space<semaphore_mem>>) {add = true}
    %dma_start3A_78 = arith.constant 10 : i32
    %dma_start3A_79 = arith.constant 0 : i32
    %dma_start3A_80 = tpu.memref_slice %arg5[%dma_start3A_78, %dma_start3A_79] : memref<50x128xi32, #tpu.memory_space<vmem>> -> memref<1x128xi32, #tpu.memory_space<vmem>>
    %dma_start3A_81 = tpu.memref_squeeze %dma_start3A_80 : memref<1x128xi32, #tpu.memory_space<vmem>> -> memref<128xi32, #tpu.memory_space<vmem>>
    %dma_start3A_82 = arith.constant 0 : i32
    %dma_start3A_83 = arith.constant 0 : i32
    %dma_start3A_84 = tpu.memref_slice %arg2[%dma_start3A_82, %dma_start3A_83] : memref<1000000x32xf32, #tpu.memory_space<hbm>> -> memref<1000000x32xf32, #tpu.memory_space<hbm>>
    tpu.enqueue_indirect_dma source(%dma_start3A_84 : memref<1000000x32xf32, #tpu.memory_space<hbm>>) target(%arg6 : memref<128x32xf32, #tpu.memory_space<vmem>>) offsets(%dma_start3A_81 : memref<128xi32, #tpu.memory_space<vmem>>) semaphore(%arg8 : memref<!tpu.dma_semaphore, #tpu.memory_space<semaphore_mem>>) {add = true}
    %dma_start3A_85 = arith.constant 11 : i32
    %dma_start3A_86 = arith.constant 0 : i32
    %dma_start3A_87 = tpu.memref_slice %arg5[%dma_start3A_85, %dma_start3A_86] : memref<50x128xi32, #tpu.memory_space<vmem>> -> memref<1x128xi32, #tpu.memory_space<vmem>>
    %dma_start3A_88 = tpu.memref_squeeze %dma_start3A_87 : memref<1x128xi32, #tpu.memory_space<vmem>> -> memref<128xi32, #tpu.memory_space<vmem>>
    %dma_start3A_89 = arith.constant 0 : i32
    %dma_start3A_90 = arith.constant 0 : i32
    %dma_start3A_91 = tpu.memref_slice %arg2[%dma_start3A_89, %dma_start3A_90] : memref<1000000x32xf32, #tpu.memory_space<hbm>> -> memref<1000000x32xf32, #tpu.memory_space<hbm>>
    tpu.enqueue_indirect_dma source(%dma_start3A_91 : memref<1000000x32xf32, #tpu.memory_space<hbm>>) target(%arg6 : memref<128x32xf32, #tpu.memory_space<vmem>>) offsets(%dma_start3A_88 : memref<128xi32, #tpu.memory_space<vmem>>) semaphore(%arg8 : memref<!tpu.dma_semaphore, #tpu.memory_space<semaphore_mem>>) {add = true}
    %dma_start3A_92 = arith.constant 12 : i32
    %dma_start3A_93 = arith.constant 0 : i32
    %dma_start3A_94 = tpu.memref_slice %arg5[%dma_start3A_92, %dma_start3A_93] : memref<50x128xi32, #tpu.memory_space<vmem>> -> memref<1x128xi32, #tpu.memory_space<vmem>>
    %dma_start3A_95 = tpu.memref_squeeze %dma_start3A_94 : memref<1x128xi32, #tpu.memory_space<vmem>> -> memref<128xi32, #tpu.memory_space<vmem>>
    %dma_start3A_96 = arith.constant 0 : i32
    %dma_start3A_97 = arith.constant 0 : i32
    %dma_start3A_98 = tpu.memref_slice %arg2[%dma_start3A_96, %dma_start3A_97] : memref<1000000x32xf32, #tpu.memory_space<hbm>> -> memref<1000000x32xf32, #tpu.memory_space<hbm>>
    tpu.enqueue_indirect_dma source(%dma_start3A_98 : memref<1000000x32xf32, #tpu.memory_space<hbm>>) target(%arg6 : memref<128x32xf32, #tpu.memory_space<vmem>>) offsets(%dma_start3A_95 : memref<128xi32, #tpu.memory_space<vmem>>) semaphore(%arg8 : memref<!tpu.dma_semaphore, #tpu.memory_space<semaphore_mem>>) {add = true}
    %dma_start3A_99 = arith.constant 13 : i32
    %dma_start3A_100 = arith.constant 0 : i32
    %dma_start3A_101 = tpu.memref_slice %arg5[%dma_start3A_99, %dma_start3A_100] : memref<50x128xi32, #tpu.memory_space<vmem>> -> memref<1x128xi32, #tpu.memory_space<vmem>>
    %dma_start3A_102 = tpu.memref_squeeze %dma_start3A_101 : memref<1x128xi32, #tpu.memory_space<vmem>> -> memref<128xi32, #tpu.memory_space<vmem>>
    %dma_start3A_103 = arith.constant 0 : i32
    %dma_start3A_104 = arith.constant 0 : i32
    %dma_start3A_105 = tpu.memref_slice %arg2[%dma_start3A_103, %dma_start3A_104] : memref<1000000x32xf32, #tpu.memory_space<hbm>> -> memref<1000000x32xf32, #tpu.memory_space<hbm>>
    tpu.enqueue_indirect_dma source(%dma_start3A_105 : memref<1000000x32xf32, #tpu.memory_space<hbm>>) target(%arg6 : memref<128x32xf32, #tpu.memory_space<vmem>>) offsets(%dma_start3A_102 : memref<128xi32, #tpu.memory_space<vmem>>) semaphore(%arg8 : memref<!tpu.dma_semaphore, #tpu.memory_space<semaphore_mem>>) {add = true}
    %dma_start3A_106 = arith.constant 14 : i32
    %dma_start3A_107 = arith.constant 0 : i32
    %dma_start3A_108 = tpu.memref_slice %arg5[%dma_start3A_106, %dma_start3A_107] : memref<50x128xi32, #tpu.memory_space<vmem>> -> memref<1x128xi32, #tpu.memory_space<vmem>>
    %dma_start3A_109 = tpu.memref_squeeze %dma_start3A_108 : memref<1x128xi32, #tpu.memory_space<vmem>> -> memref<128xi32, #tpu.memory_space<vmem>>
    %dma_start3A_110 = arith.constant 0 : i32
    %dma_start3A_111 = arith.constant 0 : i32
    %dma_start3A_112 = tpu.memref_slice %arg2[%dma_start3A_110, %dma_start3A_111] : memref<1000000x32xf32, #tpu.memory_space<hbm>> -> memref<1000000x32xf32, #tpu.memory_space<hbm>>
    tpu.enqueue_indirect_dma source(%dma_start3A_112 : memref<1000000x32xf32, #tpu.memory_space<hbm>>) target(%arg6 : memref<128x32xf32, #tpu.memory_space<vmem>>) offsets(%dma_start3A_109 : memref<128xi32, #tpu.memory_space<vmem>>) semaphore(%arg8 : memref<!tpu.dma_semaphore, #tpu.memory_space<semaphore_mem>>) {add = true}
    %dma_start3A_113 = arith.constant 15 : i32
    %dma_start3A_114 = arith.constant 0 : i32
    %dma_start3A_115 = tpu.memref_slice %arg5[%dma_start3A_113, %dma_start3A_114] : memref<50x128xi32, #tpu.memory_space<vmem>> -> memref<1x128xi32, #tpu.memory_space<vmem>>
    %dma_start3A_116 = tpu.memref_squeeze %dma_start3A_115 : memref<1x128xi32, #tpu.memory_space<vmem>> -> memref<128xi32, #tpu.memory_space<vmem>>
    %dma_start3A_117 = arith.constant 0 : i32
    %dma_start3A_118 = arith.constant 0 : i32
    %dma_start3A_119 = tpu.memref_slice %arg2[%dma_start3A_117, %dma_start3A_118] : memref<1000000x32xf32, #tpu.memory_space<hbm>> -> memref<1000000x32xf32, #tpu.memory_space<hbm>>
    tpu.enqueue_indirect_dma source(%dma_start3A_119 : memref<1000000x32xf32, #tpu.memory_space<hbm>>) target(%arg6 : memref<128x32xf32, #tpu.memory_space<vmem>>) offsets(%dma_start3A_116 : memref<128xi32, #tpu.memory_space<vmem>>) semaphore(%arg8 : memref<!tpu.dma_semaphore, #tpu.memory_space<semaphore_mem>>) {add = true}
    %dma_wait3A = arith.constant 0 : i32
    %dma_wait3A_120 = arith.constant 0 : i32
    %dma_wait3A_121 = tpu.memref_slice %arg5[%dma_wait3A, %dma_wait3A_120] : memref<50x128xi32, #tpu.memory_space<vmem>> -> memref<1x128xi32, #tpu.memory_space<vmem>>
    %dma_wait3A_122 = tpu.memref_squeeze %dma_wait3A_121 : memref<1x128xi32, #tpu.memory_space<vmem>> -> memref<128xi32, #tpu.memory_space<vmem>>
    %dma_wait3A_123 = arith.constant 0 : i32
    %dma_wait3A_124 = arith.constant 0 : i32
    %dma_wait3A_125 = tpu.memref_slice %arg2[%dma_wait3A_123, %dma_wait3A_124] : memref<1000000x32xf32, #tpu.memory_space<hbm>> -> memref<1000000x32xf32, #tpu.memory_space<hbm>>
    tpu.wait_indirect_dma semaphore(%arg8 : memref<!tpu.dma_semaphore, #tpu.memory_space<semaphore_mem>>) src(%dma_wait3A_125 : memref<1000000x32xf32, #tpu.memory_space<hbm>>) dst(%arg6 : memref<128x32xf32, #tpu.memory_space<vmem>>)
    %dma_start3A_126 = arith.constant 16 : i32
    %dma_start3A_127 = arith.constant 0 : i32
    %dma_start3A_128 = tpu.memref_slice %arg5[%dma_start3A_126, %dma_start3A_127] : memref<50x128xi32, #tpu.memory_space<vmem>> -> memref<1x128xi32, #tpu.memory_space<vmem>>
    %dma_start3A_129 = tpu.memref_squeeze %dma_start3A_128 : memref<1x128xi32, #tpu.memory_space<vmem>> -> memref<128xi32, #tpu.memory_space<vmem>>
    %dma_start3A_130 = arith.constant 0 : i32
    %dma_start3A_131 = arith.constant 0 : i32
    %dma_start3A_132 = tpu.memref_slice %arg2[%dma_start3A_130, %dma_start3A_131] : memref<1000000x32xf32, #tpu.memory_space<hbm>> -> memref<1000000x32xf32, #tpu.memory_space<hbm>>
    tpu.enqueue_indirect_dma source(%dma_start3A_132 : memref<1000000x32xf32, #tpu.memory_space<hbm>>) target(%arg6 : memref<128x32xf32, #tpu.memory_space<vmem>>) offsets(%dma_start3A_129 : memref<128xi32, #tpu.memory_space<vmem>>) semaphore(%arg8 : memref<!tpu.dma_semaphore, #tpu.memory_space<semaphore_mem>>) {add = true}
    %dma_wait3A_133 = arith.constant 0 : i32
    %dma_wait3A_134 = arith.constant 0 : i32
    %dma_wait3A_135 = tpu.memref_slice %arg5[%dma_wait3A_133, %dma_wait3A_134] : memref<50x128xi32, #tpu.memory_space<vmem>> -> memref<1x128xi32, #tpu.memory_space<vmem>>
    %dma_wait3A_136 = tpu.memref_squeeze %dma_wait3A_135 : memref<1x128xi32, #tpu.memory_space<vmem>> -> memref<128xi32, #tpu.memory_space<vmem>>
    %dma_wait3A_137 = arith.constant 0 : i32
    %dma_wait3A_138 = arith.constant 0 : i32
    %dma_wait3A_139 = tpu.memref_slice %arg2[%dma_wait3A_137, %dma_wait3A_138] : memref<1000000x32xf32, #tpu.memory_space<hbm>> -> memref<1000000x32xf32, #tpu.memory_space<hbm>>
    tpu.wait_indirect_dma semaphore(%arg8 : memref<!tpu.dma_semaphore, #tpu.memory_space<semaphore_mem>>) src(%dma_wait3A_139 : memref<1000000x32xf32, #tpu.memory_space<hbm>>) dst(%arg6 : memref<128x32xf32, #tpu.memory_space<vmem>>)
    %dma_start3A_140 = arith.constant 17 : i32
    %dma_start3A_141 = arith.constant 0 : i32
    %dma_start3A_142 = tpu.memref_slice %arg5[%dma_start3A_140, %dma_start3A_141] : memref<50x128xi32, #tpu.memory_space<vmem>> -> memref<1x128xi32, #tpu.memory_space<vmem>>
    %dma_start3A_143 = tpu.memref_squeeze %dma_start3A_142 : memref<1x128xi32, #tpu.memory_space<vmem>> -> memref<128xi32, #tpu.memory_space<vmem>>
    %dma_start3A_144 = arith.constant 0 : i32
    %dma_start3A_145 = arith.constant 0 : i32
    %dma_start3A_146 = tpu.memref_slice %arg2[%dma_start3A_144, %dma_start3A_145] : memref<1000000x32xf32, #tpu.memory_space<hbm>> -> memref<1000000x32xf32, #tpu.memory_space<hbm>>
    tpu.enqueue_indirect_dma source(%dma_start3A_146 : memref<1000000x32xf32, #tpu.memory_space<hbm>>) target(%arg6 : memref<128x32xf32, #tpu.memory_space<vmem>>) offsets(%dma_start3A_143 : memref<128xi32, #tpu.memory_space<vmem>>) semaphore(%arg8 : memref<!tpu.dma_semaphore, #tpu.memory_space<semaphore_mem>>) {add = true}
    %dma_wait3A_147 = arith.constant 0 : i32
    %dma_wait3A_148 = arith.constant 0 : i32
    %dma_wait3A_149 = tpu.memref_slice %arg5[%dma_wait3A_147, %dma_wait3A_148] : memref<50x128xi32, #tpu.memory_space<vmem>> -> memref<1x128xi32, #tpu.memory_space<vmem>>
    %dma_wait3A_150 = tpu.memref_squeeze %dma_wait3A_149 : memref<1x128xi32, #tpu.memory_space<vmem>> -> memref<128xi32, #tpu.memory_space<vmem>>
    %dma_wait3A_151 = arith.constant 0 : i32
    %dma_wait3A_152 = arith.constant 0 : i32
    %dma_wait3A_153 = tpu.memref_slice %arg2[%dma_wait3A_151, %dma_wait3A_152] : memref<1000000x32xf32, #tpu.memory_space<hbm>> -> memref<1000000x32xf32, #tpu.memory_space<hbm>>
    tpu.wait_indirect_dma semaphore(%arg8 : memref<!tpu.dma_semaphore, #tpu.memory_space<semaphore_mem>>) src(%dma_wait3A_153 : memref<1000000x32xf32, #tpu.memory_space<hbm>>) dst(%arg6 : memref<128x32xf32, #tpu.memory_space<vmem>>)
    %dma_start3A_154 = arith.constant 18 : i32
    %dma_start3A_155 = arith.constant 0 : i32
    %dma_start3A_156 = tpu.memref_slice %arg5[%dma_start3A_154, %dma_start3A_155] : memref<50x128xi32, #tpu.memory_space<vmem>> -> memref<1x128xi32, #tpu.memory_space<vmem>>
    %dma_start3A_157 = tpu.memref_squeeze %dma_start3A_156 : memref<1x128xi32, #tpu.memory_space<vmem>> -> memref<128xi32, #tpu.memory_space<vmem>>
    %dma_start3A_158 = arith.constant 0 : i32
    %dma_start3A_159 = arith.constant 0 : i32
    %dma_start3A_160 = tpu.memref_slice %arg2[%dma_start3A_158, %dma_start3A_159] : memref<1000000x32xf32, #tpu.memory_space<hbm>> -> memref<1000000x32xf32, #tpu.memory_space<hbm>>
    tpu.enqueue_indirect_dma source(%dma_start3A_160 : memref<1000000x32xf32, #tpu.memory_space<hbm>>) target(%arg6 : memref<128x32xf32, #tpu.memory_space<vmem>>) offsets(%dma_start3A_157 : memref<128xi32, #tpu.memory_space<vmem>>) semaphore(%arg8 : memref<!tpu.dma_semaphore, #tpu.memory_space<semaphore_mem>>) {add = true}
    %dma_wait3A_161 = arith.constant 0 : i32
    %dma_wait3A_162 = arith.constant 0 : i32
    %dma_wait3A_163 = tpu.memref_slice %arg5[%dma_wait3A_161, %dma_wait3A_162] : memref<50x128xi32, #tpu.memory_space<vmem>> -> memref<1x128xi32, #tpu.memory_space<vmem>>
    %dma_wait3A_164 = tpu.memref_squeeze %dma_wait3A_163 : memref<1x128xi32, #tpu.memory_space<vmem>> -> memref<128xi32, #tpu.memory_space<vmem>>
    %dma_wait3A_165 = arith.constant 0 : i32
    %dma_wait3A_166 = arith.constant 0 : i32
    %dma_wait3A_167 = tpu.memref_slice %arg2[%dma_wait3A_165, %dma_wait3A_166] : memref<1000000x32xf32, #tpu.memory_space<hbm>> -> memref<1000000x32xf32, #tpu.memory_space<hbm>>
    tpu.wait_indirect_dma semaphore(%arg8 : memref<!tpu.dma_semaphore, #tpu.memory_space<semaphore_mem>>) src(%dma_wait3A_167 : memref<1000000x32xf32, #tpu.memory_space<hbm>>) dst(%arg6 : memref<128x32xf32, #tpu.memory_space<vmem>>)
    %dma_start3A_168 = arith.constant 19 : i32
    %dma_start3A_169 = arith.constant 0 : i32
    %dma_start3A_170 = tpu.memref_slice %arg5[%dma_start3A_168, %dma_start3A_169] : memref<50x128xi32, #tpu.memory_space<vmem>> -> memref<1x128xi32, #tpu.memory_space<vmem>>
    %dma_start3A_171 = tpu.memref_squeeze %dma_start3A_170 : memref<1x128xi32, #tpu.memory_space<vmem>> -> memref<128xi32, #tpu.memory_space<vmem>>
    %dma_start3A_172 = arith.constant 0 : i32
    %dma_start3A_173 = arith.constant 0 : i32
    %dma_start3A_174 = tpu.memref_slice %arg2[%dma_start3A_172, %dma_start3A_173] : memref<1000000x32xf32, #tpu.memory_space<hbm>> -> memref<1000000x32xf32, #tpu.memory_space<hbm>>
    tpu.enqueue_indirect_dma source(%dma_start3A_174 : memref<1000000x32xf32, #tpu.memory_space<hbm>>) target(%arg6 : memref<128x32xf32, #tpu.memory_space<vmem>>) offsets(%dma_start3A_171 : memref<128xi32, #tpu.memory_space<vmem>>) semaphore(%arg8 : memref<!tpu.dma_semaphore, #tpu.memory_space<semaphore_mem>>) {add = true}
    %dma_wait3A_175 = arith.constant 0 : i32
    %dma_wait3A_176 = arith.constant 0 : i32
    %dma_wait3A_177 = tpu.memref_slice %arg5[%dma_wait3A_175, %dma_wait3A_176] : memref<50x128xi32, #tpu.memory_space<vmem>> -> memref<1x128xi32, #tpu.memory_space<vmem>>
    %dma_wait3A_178 = tpu.memref_squeeze %dma_wait3A_177 : memref<1x128xi32, #tpu.memory_space<vmem>> -> memref<128xi32, #tpu.memory_space<vmem>>
    %dma_wait3A_179 = arith.constant 0 : i32
    %dma_wait3A_180 = arith.constant 0 : i32
    %dma_wait3A_181 = tpu.memref_slice %arg2[%dma_wait3A_179, %dma_wait3A_180] : memref<1000000x32xf32, #tpu.memory_space<hbm>> -> memref<1000000x32xf32, #tpu.memory_space<hbm>>
    tpu.wait_indirect_dma semaphore(%arg8 : memref<!tpu.dma_semaphore, #tpu.memory_space<semaphore_mem>>) src(%dma_wait3A_181 : memref<1000000x32xf32, #tpu.memory_space<hbm>>) dst(%arg6 : memref<128x32xf32, #tpu.memory_space<vmem>>)
    %dma_start3A_182 = arith.constant 20 : i32
    %dma_start3A_183 = arith.constant 0 : i32
    %dma_start3A_184 = tpu.memref_slice %arg5[%dma_start3A_182, %dma_start3A_183] : memref<50x128xi32, #tpu.memory_space<vmem>> -> memref<1x128xi32, #tpu.memory_space<vmem>>
    %dma_start3A_185 = tpu.memref_squeeze %dma_start3A_184 : memref<1x128xi32, #tpu.memory_space<vmem>> -> memref<128xi32, #tpu.memory_space<vmem>>
    %dma_start3A_186 = arith.constant 0 : i32
    %dma_start3A_187 = arith.constant 0 : i32
    %dma_start3A_188 = tpu.memref_slice %arg2[%dma_start3A_186, %dma_start3A_187] : memref<1000000x32xf32, #tpu.memory_space<hbm>> -> memref<1000000x32xf32, #tpu.memory_space<hbm>>
    tpu.enqueue_indirect_dma source(%dma_start3A_188 : memref<1000000x32xf32, #tpu.memory_space<hbm>>) target(%arg6 : memref<128x32xf32, #tpu.memory_space<vmem>>) offsets(%dma_start3A_185 : memref<128xi32, #tpu.memory_space<vmem>>) semaphore(%arg8 : memref<!tpu.dma_semaphore, #tpu.memory_space<semaphore_mem>>) {add = true}
    %dma_wait3A_189 = arith.constant 0 : i32
    %dma_wait3A_190 = arith.constant 0 : i32
    %dma_wait3A_191 = tpu.memref_slice %arg5[%dma_wait3A_189, %dma_wait3A_190] : memref<50x128xi32, #tpu.memory_space<vmem>> -> memref<1x128xi32, #tpu.memory_space<vmem>>
    %dma_wait3A_192 = tpu.memref_squeeze %dma_wait3A_191 : memref<1x128xi32, #tpu.memory_space<vmem>> -> memref<128xi32, #tpu.memory_space<vmem>>
    %dma_wait3A_193 = arith.constant 0 : i32
    %dma_wait3A_194 = arith.constant 0 : i32
    %dma_wait3A_195 = tpu.memref_slice %arg2[%dma_wait3A_193, %dma_wait3A_194] : memref<1000000x32xf32, #tpu.memory_space<hbm>> -> memref<1000000x32xf32, #tpu.memory_space<hbm>>
    tpu.wait_indirect_dma semaphore(%arg8 : memref<!tpu.dma_semaphore, #tpu.memory_space<semaphore_mem>>) src(%dma_wait3A_195 : memref<1000000x32xf32, #tpu.memory_space<hbm>>) dst(%arg6 : memref<128x32xf32, #tpu.memory_space<vmem>>)
    %dma_start3A_196 = arith.constant 21 : i32
    %dma_start3A_197 = arith.constant 0 : i32
    %dma_start3A_198 = tpu.memref_slice %arg5[%dma_start3A_196, %dma_start3A_197] : memref<50x128xi32, #tpu.memory_space<vmem>> -> memref<1x128xi32, #tpu.memory_space<vmem>>
    %dma_start3A_199 = tpu.memref_squeeze %dma_start3A_198 : memref<1x128xi32, #tpu.memory_space<vmem>> -> memref<128xi32, #tpu.memory_space<vmem>>
    %dma_start3A_200 = arith.constant 0 : i32
    %dma_start3A_201 = arith.constant 0 : i32
    %dma_start3A_202 = tpu.memref_slice %arg2[%dma_start3A_200, %dma_start3A_201] : memref<1000000x32xf32, #tpu.memory_space<hbm>> -> memref<1000000x32xf32, #tpu.memory_space<hbm>>
    tpu.enqueue_indirect_dma source(%dma_start3A_202 : memref<1000000x32xf32, #tpu.memory_space<hbm>>) target(%arg6 : memref<128x32xf32, #tpu.memory_space<vmem>>) offsets(%dma_start3A_199 : memref<128xi32, #tpu.memory_space<vmem>>) semaphore(%arg8 : memref<!tpu.dma_semaphore, #tpu.memory_space<semaphore_mem>>) {add = true}
    %dma_wait3A_203 = arith.constant 0 : i32
    %dma_wait3A_204 = arith.constant 0 : i32
    %dma_wait3A_205 = tpu.memref_slice %arg5[%dma_wait3A_203, %dma_wait3A_204] : memref<50x128xi32, #tpu.memory_space<vmem>> -> memref<1x128xi32, #tpu.memory_space<vmem>>
    %dma_wait3A_206 = tpu.memref_squeeze %dma_wait3A_205 : memref<1x128xi32, #tpu.memory_space<vmem>> -> memref<128xi32, #tpu.memory_space<vmem>>
    %dma_wait3A_207 = arith.constant 0 : i32
    %dma_wait3A_208 = arith.constant 0 : i32
    %dma_wait3A_209 = tpu.memref_slice %arg2[%dma_wait3A_207, %dma_wait3A_208] : memref<1000000x32xf32, #tpu.memory_space<hbm>> -> memref<1000000x32xf32, #tpu.memory_space<hbm>>
    tpu.wait_indirect_dma semaphore(%arg8 : memref<!tpu.dma_semaphore, #tpu.memory_space<semaphore_mem>>) src(%dma_wait3A_209 : memref<1000000x32xf32, #tpu.memory_space<hbm>>) dst(%arg6 : memref<128x32xf32, #tpu.memory_space<vmem>>)
    %dma_start3A_210 = arith.constant 22 : i32
    %dma_start3A_211 = arith.constant 0 : i32
    %dma_start3A_212 = tpu.memref_slice %arg5[%dma_start3A_210, %dma_start3A_211] : memref<50x128xi32, #tpu.memory_space<vmem>> -> memref<1x128xi32, #tpu.memory_space<vmem>>
    %dma_start3A_213 = tpu.memref_squeeze %dma_start3A_212 : memref<1x128xi32, #tpu.memory_space<vmem>> -> memref<128xi32, #tpu.memory_space<vmem>>
    %dma_start3A_214 = arith.constant 0 : i32
    %dma_start3A_215 = arith.constant 0 : i32
    %dma_start3A_216 = tpu.memref_slice %arg2[%dma_start3A_214, %dma_start3A_215] : memref<1000000x32xf32, #tpu.memory_space<hbm>> -> memref<1000000x32xf32, #tpu.memory_space<hbm>>
    tpu.enqueue_indirect_dma source(%dma_start3A_216 : memref<1000000x32xf32, #tpu.memory_space<hbm>>) target(%arg6 : memref<128x32xf32, #tpu.memory_space<vmem>>) offsets(%dma_start3A_213 : memref<128xi32, #tpu.memory_space<vmem>>) semaphore(%arg8 : memref<!tpu.dma_semaphore, #tpu.memory_space<semaphore_mem>>) {add = true}
    %dma_wait3A_217 = arith.constant 0 : i32
    %dma_wait3A_218 = arith.constant 0 : i32
    %dma_wait3A_219 = tpu.memref_slice %arg5[%dma_wait3A_217, %dma_wait3A_218] : memref<50x128xi32, #tpu.memory_space<vmem>> -> memref<1x128xi32, #tpu.memory_space<vmem>>
    %dma_wait3A_220 = tpu.memref_squeeze %dma_wait3A_219 : memref<1x128xi32, #tpu.memory_space<vmem>> -> memref<128xi32, #tpu.memory_space<vmem>>
    %dma_wait3A_221 = arith.constant 0 : i32
    %dma_wait3A_222 = arith.constant 0 : i32
    %dma_wait3A_223 = tpu.memref_slice %arg2[%dma_wait3A_221, %dma_wait3A_222] : memref<1000000x32xf32, #tpu.memory_space<hbm>> -> memref<1000000x32xf32, #tpu.memory_space<hbm>>
    tpu.wait_indirect_dma semaphore(%arg8 : memref<!tpu.dma_semaphore, #tpu.memory_space<semaphore_mem>>) src(%dma_wait3A_223 : memref<1000000x32xf32, #tpu.memory_space<hbm>>) dst(%arg6 : memref<128x32xf32, #tpu.memory_space<vmem>>)
    %dma_start3A_224 = arith.constant 23 : i32
    %dma_start3A_225 = arith.constant 0 : i32
    %dma_start3A_226 = tpu.memref_slice %arg5[%dma_start3A_224, %dma_start3A_225] : memref<50x128xi32, #tpu.memory_space<vmem>> -> memref<1x128xi32, #tpu.memory_space<vmem>>
    %dma_start3A_227 = tpu.memref_squeeze %dma_start3A_226 : memref<1x128xi32, #tpu.memory_space<vmem>> -> memref<128xi32, #tpu.memory_space<vmem>>
    %dma_start3A_228 = arith.constant 0 : i32
    %dma_start3A_229 = arith.constant 0 : i32
    %dma_start3A_230 = tpu.memref_slice %arg2[%dma_start3A_228, %dma_start3A_229] : memref<1000000x32xf32, #tpu.memory_space<hbm>> -> memref<1000000x32xf32, #tpu.memory_space<hbm>>
    tpu.enqueue_indirect_dma source(%dma_start3A_230 : memref<1000000x32xf32, #tpu.memory_space<hbm>>) target(%arg6 : memref<128x32xf32, #tpu.memory_space<vmem>>) offsets(%dma_start3A_227 : memref<128xi32, #tpu.memory_space<vmem>>) semaphore(%arg8 : memref<!tpu.dma_semaphore, #tpu.memory_space<semaphore_mem>>) {add = true}
    %dma_wait3A_231 = arith.constant 0 : i32
    %dma_wait3A_232 = arith.constant 0 : i32
    %dma_wait3A_233 = tpu.memref_slice %arg5[%dma_wait3A_231, %dma_wait3A_232] : memref<50x128xi32, #tpu.memory_space<vmem>> -> memref<1x128xi32, #tpu.memory_space<vmem>>
    %dma_wait3A_234 = tpu.memref_squeeze %dma_wait3A_233 : memref<1x128xi32, #tpu.memory_space<vmem>> -> memref<128xi32, #tpu.memory_space<vmem>>
    %dma_wait3A_235 = arith.constant 0 : i32
    %dma_wait3A_236 = arith.constant 0 : i32
    %dma_wait3A_237 = tpu.memref_slice %arg2[%dma_wait3A_235, %dma_wait3A_236] : memref<1000000x32xf32, #tpu.memory_space<hbm>> -> memref<1000000x32xf32, #tpu.memory_space<hbm>>
    tpu.wait_indirect_dma semaphore(%arg8 : memref<!tpu.dma_semaphore, #tpu.memory_space<semaphore_mem>>) src(%dma_wait3A_237 : memref<1000000x32xf32, #tpu.memory_space<hbm>>) dst(%arg6 : memref<128x32xf32, #tpu.memory_space<vmem>>)
    %dma_start3A_238 = arith.constant 24 : i32
    %dma_start3A_239 = arith.constant 0 : i32
    %dma_start3A_240 = tpu.memref_slice %arg5[%dma_start3A_238, %dma_start3A_239] : memref<50x128xi32, #tpu.memory_space<vmem>> -> memref<1x128xi32, #tpu.memory_space<vmem>>
    %dma_start3A_241 = tpu.memref_squeeze %dma_start3A_240 : memref<1x128xi32, #tpu.memory_space<vmem>> -> memref<128xi32, #tpu.memory_space<vmem>>
    %dma_start3A_242 = arith.constant 0 : i32
    %dma_start3A_243 = arith.constant 0 : i32
    %dma_start3A_244 = tpu.memref_slice %arg2[%dma_start3A_242, %dma_start3A_243] : memref<1000000x32xf32, #tpu.memory_space<hbm>> -> memref<1000000x32xf32, #tpu.memory_space<hbm>>
    tpu.enqueue_indirect_dma source(%dma_start3A_244 : memref<1000000x32xf32, #tpu.memory_space<hbm>>) target(%arg6 : memref<128x32xf32, #tpu.memory_space<vmem>>) offsets(%dma_start3A_241 : memref<128xi32, #tpu.memory_space<vmem>>) semaphore(%arg8 : memref<!tpu.dma_semaphore, #tpu.memory_space<semaphore_mem>>) {add = true}
    %dma_wait3A_245 = arith.constant 0 : i32
    %dma_wait3A_246 = arith.constant 0 : i32
    %dma_wait3A_247 = tpu.memref_slice %arg5[%dma_wait3A_245, %dma_wait3A_246] : memref<50x128xi32, #tpu.memory_space<vmem>> -> memref<1x128xi32, #tpu.memory_space<vmem>>
    %dma_wait3A_248 = tpu.memref_squeeze %dma_wait3A_247 : memref<1x128xi32, #tpu.memory_space<vmem>> -> memref<128xi32, #tpu.memory_space<vmem>>
    %dma_wait3A_249 = arith.constant 0 : i32
    %dma_wait3A_250 = arith.constant 0 : i32
    %dma_wait3A_251 = tpu.memref_slice %arg2[%dma_wait3A_249, %dma_wait3A_250] : memref<1000000x32xf32, #tpu.memory_space<hbm>> -> memref<1000000x32xf32, #tpu.memory_space<hbm>>
    tpu.wait_indirect_dma semaphore(%arg8 : memref<!tpu.dma_semaphore, #tpu.memory_space<semaphore_mem>>) src(%dma_wait3A_251 : memref<1000000x32xf32, #tpu.memory_space<hbm>>) dst(%arg6 : memref<128x32xf32, #tpu.memory_space<vmem>>)
    %dma_start3A_252 = arith.constant 25 : i32
    %dma_start3A_253 = arith.constant 0 : i32
    %dma_start3A_254 = tpu.memref_slice %arg5[%dma_start3A_252, %dma_start3A_253] : memref<50x128xi32, #tpu.memory_space<vmem>> -> memref<1x128xi32, #tpu.memory_space<vmem>>
    %dma_start3A_255 = tpu.memref_squeeze %dma_start3A_254 : memref<1x128xi32, #tpu.memory_space<vmem>> -> memref<128xi32, #tpu.memory_space<vmem>>
    %dma_start3A_256 = arith.constant 0 : i32
    %dma_start3A_257 = arith.constant 0 : i32
    %dma_start3A_258 = tpu.memref_slice %arg2[%dma_start3A_256, %dma_start3A_257] : memref<1000000x32xf32, #tpu.memory_space<hbm>> -> memref<1000000x32xf32, #tpu.memory_space<hbm>>
    tpu.enqueue_indirect_dma source(%dma_start3A_258 : memref<1000000x32xf32, #tpu.memory_space<hbm>>) target(%arg6 : memref<128x32xf32, #tpu.memory_space<vmem>>) offsets(%dma_start3A_255 : memref<128xi32, #tpu.memory_space<vmem>>) semaphore(%arg8 : memref<!tpu.dma_semaphore, #tpu.memory_space<semaphore_mem>>) {add = true}
    %dma_wait3A_259 = arith.constant 0 : i32
    %dma_wait3A_260 = arith.constant 0 : i32
    %dma_wait3A_261 = tpu.memref_slice %arg5[%dma_wait3A_259, %dma_wait3A_260] : memref<50x128xi32, #tpu.memory_space<vmem>> -> memref<1x128xi32, #tpu.memory_space<vmem>>
    %dma_wait3A_262 = tpu.memref_squeeze %dma_wait3A_261 : memref<1x128xi32, #tpu.memory_space<vmem>> -> memref<128xi32, #tpu.memory_space<vmem>>
    %dma_wait3A_263 = arith.constant 0 : i32
    %dma_wait3A_264 = arith.constant 0 : i32
    %dma_wait3A_265 = tpu.memref_slice %arg2[%dma_wait3A_263, %dma_wait3A_264] : memref<1000000x32xf32, #tpu.memory_space<hbm>> -> memref<1000000x32xf32, #tpu.memory_space<hbm>>
    tpu.wait_indirect_dma semaphore(%arg8 : memref<!tpu.dma_semaphore, #tpu.memory_space<semaphore_mem>>) src(%dma_wait3A_265 : memref<1000000x32xf32, #tpu.memory_space<hbm>>) dst(%arg6 : memref<128x32xf32, #tpu.memory_space<vmem>>)
    %dma_start3A_266 = arith.constant 26 : i32
    %dma_start3A_267 = arith.constant 0 : i32
    %dma_start3A_268 = tpu.memref_slice %arg5[%dma_start3A_266, %dma_start3A_267] : memref<50x128xi32, #tpu.memory_space<vmem>> -> memref<1x128xi32, #tpu.memory_space<vmem>>
    %dma_start3A_269 = tpu.memref_squeeze %dma_start3A_268 : memref<1x128xi32, #tpu.memory_space<vmem>> -> memref<128xi32, #tpu.memory_space<vmem>>
    %dma_start3A_270 = arith.constant 0 : i32
    %dma_start3A_271 = arith.constant 0 : i32
    %dma_start3A_272 = tpu.memref_slice %arg2[%dma_start3A_270, %dma_start3A_271] : memref<1000000x32xf32, #tpu.memory_space<hbm>> -> memref<1000000x32xf32, #tpu.memory_space<hbm>>
    tpu.enqueue_indirect_dma source(%dma_start3A_272 : memref<1000000x32xf32, #tpu.memory_space<hbm>>) target(%arg6 : memref<128x32xf32, #tpu.memory_space<vmem>>) offsets(%dma_start3A_269 : memref<128xi32, #tpu.memory_space<vmem>>) semaphore(%arg8 : memref<!tpu.dma_semaphore, #tpu.memory_space<semaphore_mem>>) {add = true}
    %dma_wait3A_273 = arith.constant 0 : i32
    %dma_wait3A_274 = arith.constant 0 : i32
    %dma_wait3A_275 = tpu.memref_slice %arg5[%dma_wait3A_273, %dma_wait3A_274] : memref<50x128xi32, #tpu.memory_space<vmem>> -> memref<1x128xi32, #tpu.memory_space<vmem>>
    %dma_wait3A_276 = tpu.memref_squeeze %dma_wait3A_275 : memref<1x128xi32, #tpu.memory_space<vmem>> -> memref<128xi32, #tpu.memory_space<vmem>>
    %dma_wait3A_277 = arith.constant 0 : i32
    %dma_wait3A_278 = arith.constant 0 : i32
    %dma_wait3A_279 = tpu.memref_slice %arg2[%dma_wait3A_277, %dma_wait3A_278] : memref<1000000x32xf32, #tpu.memory_space<hbm>> -> memref<1000000x32xf32, #tpu.memory_space<hbm>>
    tpu.wait_indirect_dma semaphore(%arg8 : memref<!tpu.dma_semaphore, #tpu.memory_space<semaphore_mem>>) src(%dma_wait3A_279 : memref<1000000x32xf32, #tpu.memory_space<hbm>>) dst(%arg6 : memref<128x32xf32, #tpu.memory_space<vmem>>)
    %dma_start3A_280 = arith.constant 27 : i32
    %dma_start3A_281 = arith.constant 0 : i32
    %dma_start3A_282 = tpu.memref_slice %arg5[%dma_start3A_280, %dma_start3A_281] : memref<50x128xi32, #tpu.memory_space<vmem>> -> memref<1x128xi32, #tpu.memory_space<vmem>>
    %dma_start3A_283 = tpu.memref_squeeze %dma_start3A_282 : memref<1x128xi32, #tpu.memory_space<vmem>> -> memref<128xi32, #tpu.memory_space<vmem>>
    %dma_start3A_284 = arith.constant 0 : i32
    %dma_start3A_285 = arith.constant 0 : i32
    %dma_start3A_286 = tpu.memref_slice %arg2[%dma_start3A_284, %dma_start3A_285] : memref<1000000x32xf32, #tpu.memory_space<hbm>> -> memref<1000000x32xf32, #tpu.memory_space<hbm>>
    tpu.enqueue_indirect_dma source(%dma_start3A_286 : memref<1000000x32xf32, #tpu.memory_space<hbm>>) target(%arg6 : memref<128x32xf32, #tpu.memory_space<vmem>>) offsets(%dma_start3A_283 : memref<128xi32, #tpu.memory_space<vmem>>) semaphore(%arg8 : memref<!tpu.dma_semaphore, #tpu.memory_space<semaphore_mem>>) {add = true}
    %dma_wait3A_287 = arith.constant 0 : i32
    %dma_wait3A_288 = arith.constant 0 : i32
    %dma_wait3A_289 = tpu.memref_slice %arg5[%dma_wait3A_287, %dma_wait3A_288] : memref<50x128xi32, #tpu.memory_space<vmem>> -> memref<1x128xi32, #tpu.memory_space<vmem>>
    %dma_wait3A_290 = tpu.memref_squeeze %dma_wait3A_289 : memref<1x128xi32, #tpu.memory_space<vmem>> -> memref<128xi32, #tpu.memory_space<vmem>>
    %dma_wait3A_291 = arith.constant 0 : i32
    %dma_wait3A_292 = arith.constant 0 : i32
    %dma_wait3A_293 = tpu.memref_slice %arg2[%dma_wait3A_291, %dma_wait3A_292] : memref<1000000x32xf32, #tpu.memory_space<hbm>> -> memref<1000000x32xf32, #tpu.memory_space<hbm>>
    tpu.wait_indirect_dma semaphore(%arg8 : memref<!tpu.dma_semaphore, #tpu.memory_space<semaphore_mem>>) src(%dma_wait3A_293 : memref<1000000x32xf32, #tpu.memory_space<hbm>>) dst(%arg6 : memref<128x32xf32, #tpu.memory_space<vmem>>)
    %dma_start3A_294 = arith.constant 28 : i32
    %dma_start3A_295 = arith.constant 0 : i32
    %dma_start3A_296 = tpu.memref_slice %arg5[%dma_start3A_294, %dma_start3A_295] : memref<50x128xi32, #tpu.memory_space<vmem>> -> memref<1x128xi32, #tpu.memory_space<vmem>>
    %dma_start3A_297 = tpu.memref_squeeze %dma_start3A_296 : memref<1x128xi32, #tpu.memory_space<vmem>> -> memref<128xi32, #tpu.memory_space<vmem>>
    %dma_start3A_298 = arith.constant 0 : i32
    %dma_start3A_299 = arith.constant 0 : i32
    %dma_start3A_300 = tpu.memref_slice %arg2[%dma_start3A_298, %dma_start3A_299] : memref<1000000x32xf32, #tpu.memory_space<hbm>> -> memref<1000000x32xf32, #tpu.memory_space<hbm>>
    tpu.enqueue_indirect_dma source(%dma_start3A_300 : memref<1000000x32xf32, #tpu.memory_space<hbm>>) target(%arg6 : memref<128x32xf32, #tpu.memory_space<vmem>>) offsets(%dma_start3A_297 : memref<128xi32, #tpu.memory_space<vmem>>) semaphore(%arg8 : memref<!tpu.dma_semaphore, #tpu.memory_space<semaphore_mem>>) {add = true}
    %dma_wait3A_301 = arith.constant 0 : i32
    %dma_wait3A_302 = arith.constant 0 : i32
    %dma_wait3A_303 = tpu.memref_slice %arg5[%dma_wait3A_301, %dma_wait3A_302] : memref<50x128xi32, #tpu.memory_space<vmem>> -> memref<1x128xi32, #tpu.memory_space<vmem>>
    %dma_wait3A_304 = tpu.memref_squeeze %dma_wait3A_303 : memref<1x128xi32, #tpu.memory_space<vmem>> -> memref<128xi32, #tpu.memory_space<vmem>>
    %dma_wait3A_305 = arith.constant 0 : i32
    %dma_wait3A_306 = arith.constant 0 : i32
    %dma_wait3A_307 = tpu.memref_slice %arg2[%dma_wait3A_305, %dma_wait3A_306] : memref<1000000x32xf32, #tpu.memory_space<hbm>> -> memref<1000000x32xf32, #tpu.memory_space<hbm>>
    tpu.wait_indirect_dma semaphore(%arg8 : memref<!tpu.dma_semaphore, #tpu.memory_space<semaphore_mem>>) src(%dma_wait3A_307 : memref<1000000x32xf32, #tpu.memory_space<hbm>>) dst(%arg6 : memref<128x32xf32, #tpu.memory_space<vmem>>)
    %dma_start3A_308 = arith.constant 29 : i32
    %dma_start3A_309 = arith.constant 0 : i32
    %dma_start3A_310 = tpu.memref_slice %arg5[%dma_start3A_308, %dma_start3A_309] : memref<50x128xi32, #tpu.memory_space<vmem>> -> memref<1x128xi32, #tpu.memory_space<vmem>>
    %dma_start3A_311 = tpu.memref_squeeze %dma_start3A_310 : memref<1x128xi32, #tpu.memory_space<vmem>> -> memref<128xi32, #tpu.memory_space<vmem>>
    %dma_start3A_312 = arith.constant 0 : i32
    %dma_start3A_313 = arith.constant 0 : i32
    %dma_start3A_314 = tpu.memref_slice %arg2[%dma_start3A_312, %dma_start3A_313] : memref<1000000x32xf32, #tpu.memory_space<hbm>> -> memref<1000000x32xf32, #tpu.memory_space<hbm>>
    tpu.enqueue_indirect_dma source(%dma_start3A_314 : memref<1000000x32xf32, #tpu.memory_space<hbm>>) target(%arg6 : memref<128x32xf32, #tpu.memory_space<vmem>>) offsets(%dma_start3A_311 : memref<128xi32, #tpu.memory_space<vmem>>) semaphore(%arg8 : memref<!tpu.dma_semaphore, #tpu.memory_space<semaphore_mem>>) {add = true}
    %dma_wait3A_315 = arith.constant 0 : i32
    %dma_wait3A_316 = arith.constant 0 : i32
    %dma_wait3A_317 = tpu.memref_slice %arg5[%dma_wait3A_315, %dma_wait3A_316] : memref<50x128xi32, #tpu.memory_space<vmem>> -> memref<1x128xi32, #tpu.memory_space<vmem>>
    %dma_wait3A_318 = tpu.memref_squeeze %dma_wait3A_317 : memref<1x128xi32, #tpu.memory_space<vmem>> -> memref<128xi32, #tpu.memory_space<vmem>>
    %dma_wait3A_319 = arith.constant 0 : i32
    %dma_wait3A_320 = arith.constant 0 : i32
    %dma_wait3A_321 = tpu.memref_slice %arg2[%dma_wait3A_319, %dma_wait3A_320] : memref<1000000x32xf32, #tpu.memory_space<hbm>> -> memref<1000000x32xf32, #tpu.memory_space<hbm>>
    tpu.wait_indirect_dma semaphore(%arg8 : memref<!tpu.dma_semaphore, #tpu.memory_space<semaphore_mem>>) src(%dma_wait3A_321 : memref<1000000x32xf32, #tpu.memory_space<hbm>>) dst(%arg6 : memref<128x32xf32, #tpu.memory_space<vmem>>)
    %dma_start3A_322 = arith.constant 30 : i32
    %dma_start3A_323 = arith.constant 0 : i32
    %dma_start3A_324 = tpu.memref_slice %arg5[%dma_start3A_322, %dma_start3A_323] : memref<50x128xi32, #tpu.memory_space<vmem>> -> memref<1x128xi32, #tpu.memory_space<vmem>>
    %dma_start3A_325 = tpu.memref_squeeze %dma_start3A_324 : memref<1x128xi32, #tpu.memory_space<vmem>> -> memref<128xi32, #tpu.memory_space<vmem>>
    %dma_start3A_326 = arith.constant 0 : i32
    %dma_start3A_327 = arith.constant 0 : i32
    %dma_start3A_328 = tpu.memref_slice %arg2[%dma_start3A_326, %dma_start3A_327] : memref<1000000x32xf32, #tpu.memory_space<hbm>> -> memref<1000000x32xf32, #tpu.memory_space<hbm>>
    tpu.enqueue_indirect_dma source(%dma_start3A_328 : memref<1000000x32xf32, #tpu.memory_space<hbm>>) target(%arg6 : memref<128x32xf32, #tpu.memory_space<vmem>>) offsets(%dma_start3A_325 : memref<128xi32, #tpu.memory_space<vmem>>) semaphore(%arg8 : memref<!tpu.dma_semaphore, #tpu.memory_space<semaphore_mem>>) {add = true}
    %dma_wait3A_329 = arith.constant 0 : i32
    %dma_wait3A_330 = arith.constant 0 : i32
    %dma_wait3A_331 = tpu.memref_slice %arg5[%dma_wait3A_329, %dma_wait3A_330] : memref<50x128xi32, #tpu.memory_space<vmem>> -> memref<1x128xi32, #tpu.memory_space<vmem>>
    %dma_wait3A_332 = tpu.memref_squeeze %dma_wait3A_331 : memref<1x128xi32, #tpu.memory_space<vmem>> -> memref<128xi32, #tpu.memory_space<vmem>>
    %dma_wait3A_333 = arith.constant 0 : i32
    %dma_wait3A_334 = arith.constant 0 : i32
    %dma_wait3A_335 = tpu.memref_slice %arg2[%dma_wait3A_333, %dma_wait3A_334] : memref<1000000x32xf32, #tpu.memory_space<hbm>> -> memref<1000000x32xf32, #tpu.memory_space<hbm>>
    tpu.wait_indirect_dma semaphore(%arg8 : memref<!tpu.dma_semaphore, #tpu.memory_space<semaphore_mem>>) src(%dma_wait3A_335 : memref<1000000x32xf32, #tpu.memory_space<hbm>>) dst(%arg6 : memref<128x32xf32, #tpu.memory_space<vmem>>)
    %dma_start3A_336 = arith.constant 31 : i32
    %dma_start3A_337 = arith.constant 0 : i32
    %dma_start3A_338 = tpu.memref_slice %arg5[%dma_start3A_336, %dma_start3A_337] : memref<50x128xi32, #tpu.memory_space<vmem>> -> memref<1x128xi32, #tpu.memory_space<vmem>>
    %dma_start3A_339 = tpu.memref_squeeze %dma_start3A_338 : memref<1x128xi32, #tpu.memory_space<vmem>> -> memref<128xi32, #tpu.memory_space<vmem>>
    %dma_start3A_340 = arith.constant 0 : i32
    %dma_start3A_341 = arith.constant 0 : i32
    %dma_start3A_342 = tpu.memref_slice %arg2[%dma_start3A_340, %dma_start3A_341] : memref<1000000x32xf32, #tpu.memory_space<hbm>> -> memref<1000000x32xf32, #tpu.memory_space<hbm>>
    tpu.enqueue_indirect_dma source(%dma_start3A_342 : memref<1000000x32xf32, #tpu.memory_space<hbm>>) target(%arg6 : memref<128x32xf32, #tpu.memory_space<vmem>>) offsets(%dma_start3A_339 : memref<128xi32, #tpu.memory_space<vmem>>) semaphore(%arg8 : memref<!tpu.dma_semaphore, #tpu.memory_space<semaphore_mem>>) {add = true}
    %dma_wait3A_343 = arith.constant 0 : i32
    %dma_wait3A_344 = arith.constant 0 : i32
    %dma_wait3A_345 = tpu.memref_slice %arg5[%dma_wait3A_343, %dma_wait3A_344] : memref<50x128xi32, #tpu.memory_space<vmem>> -> memref<1x128xi32, #tpu.memory_space<vmem>>
    %dma_wait3A_346 = tpu.memref_squeeze %dma_wait3A_345 : memref<1x128xi32, #tpu.memory_space<vmem>> -> memref<128xi32, #tpu.memory_space<vmem>>
    %dma_wait3A_347 = arith.constant 0 : i32
    %dma_wait3A_348 = arith.constant 0 : i32
    %dma_wait3A_349 = tpu.memref_slice %arg2[%dma_wait3A_347, %dma_wait3A_348] : memref<1000000x32xf32, #tpu.memory_space<hbm>> -> memref<1000000x32xf32, #tpu.memory_space<hbm>>
    tpu.wait_indirect_dma semaphore(%arg8 : memref<!tpu.dma_semaphore, #tpu.memory_space<semaphore_mem>>) src(%dma_wait3A_349 : memref<1000000x32xf32, #tpu.memory_space<hbm>>) dst(%arg6 : memref<128x32xf32, #tpu.memory_space<vmem>>)
    %dma_start3A_350 = arith.constant 32 : i32
    %dma_start3A_351 = arith.constant 0 : i32
    %dma_start3A_352 = tpu.memref_slice %arg5[%dma_start3A_350, %dma_start3A_351] : memref<50x128xi32, #tpu.memory_space<vmem>> -> memref<1x128xi32, #tpu.memory_space<vmem>>
    %dma_start3A_353 = tpu.memref_squeeze %dma_start3A_352 : memref<1x128xi32, #tpu.memory_space<vmem>> -> memref<128xi32, #tpu.memory_space<vmem>>
    %dma_start3A_354 = arith.constant 0 : i32
    %dma_start3A_355 = arith.constant 0 : i32
    %dma_start3A_356 = tpu.memref_slice %arg2[%dma_start3A_354, %dma_start3A_355] : memref<1000000x32xf32, #tpu.memory_space<hbm>> -> memref<1000000x32xf32, #tpu.memory_space<hbm>>
    tpu.enqueue_indirect_dma source(%dma_start3A_356 : memref<1000000x32xf32, #tpu.memory_space<hbm>>) target(%arg6 : memref<128x32xf32, #tpu.memory_space<vmem>>) offsets(%dma_start3A_353 : memref<128xi32, #tpu.memory_space<vmem>>) semaphore(%arg8 : memref<!tpu.dma_semaphore, #tpu.memory_space<semaphore_mem>>) {add = true}
    %dma_wait3A_357 = arith.constant 0 : i32
    %dma_wait3A_358 = arith.constant 0 : i32
    %dma_wait3A_359 = tpu.memref_slice %arg5[%dma_wait3A_357, %dma_wait3A_358] : memref<50x128xi32, #tpu.memory_space<vmem>> -> memref<1x128xi32, #tpu.memory_space<vmem>>
    %dma_wait3A_360 = tpu.memref_squeeze %dma_wait3A_359 : memref<1x128xi32, #tpu.memory_space<vmem>> -> memref<128xi32, #tpu.memory_space<vmem>>
    %dma_wait3A_361 = arith.constant 0 : i32
    %dma_wait3A_362 = arith.constant 0 : i32
    %dma_wait3A_363 = tpu.memref_slice %arg2[%dma_wait3A_361, %dma_wait3A_362] : memref<1000000x32xf32, #tpu.memory_space<hbm>> -> memref<1000000x32xf32, #tpu.memory_space<hbm>>
    tpu.wait_indirect_dma semaphore(%arg8 : memref<!tpu.dma_semaphore, #tpu.memory_space<semaphore_mem>>) src(%dma_wait3A_363 : memref<1000000x32xf32, #tpu.memory_space<hbm>>) dst(%arg6 : memref<128x32xf32, #tpu.memory_space<vmem>>)
    %dma_start3A_364 = arith.constant 33 : i32
    %dma_start3A_365 = arith.constant 0 : i32
    %dma_start3A_366 = tpu.memref_slice %arg5[%dma_start3A_364, %dma_start3A_365] : memref<50x128xi32, #tpu.memory_space<vmem>> -> memref<1x128xi32, #tpu.memory_space<vmem>>
    %dma_start3A_367 = tpu.memref_squeeze %dma_start3A_366 : memref<1x128xi32, #tpu.memory_space<vmem>> -> memref<128xi32, #tpu.memory_space<vmem>>
    %dma_start3A_368 = arith.constant 0 : i32
    %dma_start3A_369 = arith.constant 0 : i32
    %dma_start3A_370 = tpu.memref_slice %arg2[%dma_start3A_368, %dma_start3A_369] : memref<1000000x32xf32, #tpu.memory_space<hbm>> -> memref<1000000x32xf32, #tpu.memory_space<hbm>>
    tpu.enqueue_indirect_dma source(%dma_start3A_370 : memref<1000000x32xf32, #tpu.memory_space<hbm>>) target(%arg6 : memref<128x32xf32, #tpu.memory_space<vmem>>) offsets(%dma_start3A_367 : memref<128xi32, #tpu.memory_space<vmem>>) semaphore(%arg8 : memref<!tpu.dma_semaphore, #tpu.memory_space<semaphore_mem>>) {add = true}
    %dma_wait3A_371 = arith.constant 0 : i32
    %dma_wait3A_372 = arith.constant 0 : i32
    %dma_wait3A_373 = tpu.memref_slice %arg5[%dma_wait3A_371, %dma_wait3A_372] : memref<50x128xi32, #tpu.memory_space<vmem>> -> memref<1x128xi32, #tpu.memory_space<vmem>>
    %dma_wait3A_374 = tpu.memref_squeeze %dma_wait3A_373 : memref<1x128xi32, #tpu.memory_space<vmem>> -> memref<128xi32, #tpu.memory_space<vmem>>
    %dma_wait3A_375 = arith.constant 0 : i32
    %dma_wait3A_376 = arith.constant 0 : i32
    %dma_wait3A_377 = tpu.memref_slice %arg2[%dma_wait3A_375, %dma_wait3A_376] : memref<1000000x32xf32, #tpu.memory_space<hbm>> -> memref<1000000x32xf32, #tpu.memory_space<hbm>>
    tpu.wait_indirect_dma semaphore(%arg8 : memref<!tpu.dma_semaphore, #tpu.memory_space<semaphore_mem>>) src(%dma_wait3A_377 : memref<1000000x32xf32, #tpu.memory_space<hbm>>) dst(%arg6 : memref<128x32xf32, #tpu.memory_space<vmem>>)
    %dma_start3A_378 = arith.constant 34 : i32
    %dma_start3A_379 = arith.constant 0 : i32
    %dma_start3A_380 = tpu.memref_slice %arg5[%dma_start3A_378, %dma_start3A_379] : memref<50x128xi32, #tpu.memory_space<vmem>> -> memref<1x128xi32, #tpu.memory_space<vmem>>
    %dma_start3A_381 = tpu.memref_squeeze %dma_start3A_380 : memref<1x128xi32, #tpu.memory_space<vmem>> -> memref<128xi32, #tpu.memory_space<vmem>>
    %dma_start3A_382 = arith.constant 0 : i32
    %dma_start3A_383 = arith.constant 0 : i32
    %dma_start3A_384 = tpu.memref_slice %arg2[%dma_start3A_382, %dma_start3A_383] : memref<1000000x32xf32, #tpu.memory_space<hbm>> -> memref<1000000x32xf32, #tpu.memory_space<hbm>>
    tpu.enqueue_indirect_dma source(%dma_start3A_384 : memref<1000000x32xf32, #tpu.memory_space<hbm>>) target(%arg6 : memref<128x32xf32, #tpu.memory_space<vmem>>) offsets(%dma_start3A_381 : memref<128xi32, #tpu.memory_space<vmem>>) semaphore(%arg8 : memref<!tpu.dma_semaphore, #tpu.memory_space<semaphore_mem>>) {add = true}
    %dma_wait3A_385 = arith.constant 0 : i32
    %dma_wait3A_386 = arith.constant 0 : i32
    %dma_wait3A_387 = tpu.memref_slice %arg5[%dma_wait3A_385, %dma_wait3A_386] : memref<50x128xi32, #tpu.memory_space<vmem>> -> memref<1x128xi32, #tpu.memory_space<vmem>>
    %dma_wait3A_388 = tpu.memref_squeeze %dma_wait3A_387 : memref<1x128xi32, #tpu.memory_space<vmem>> -> memref<128xi32, #tpu.memory_space<vmem>>
    %dma_wait3A_389 = arith.constant 0 : i32
    %dma_wait3A_390 = arith.constant 0 : i32
    %dma_wait3A_391 = tpu.memref_slice %arg2[%dma_wait3A_389, %dma_wait3A_390] : memref<1000000x32xf32, #tpu.memory_space<hbm>> -> memref<1000000x32xf32, #tpu.memory_space<hbm>>
    tpu.wait_indirect_dma semaphore(%arg8 : memref<!tpu.dma_semaphore, #tpu.memory_space<semaphore_mem>>) src(%dma_wait3A_391 : memref<1000000x32xf32, #tpu.memory_space<hbm>>) dst(%arg6 : memref<128x32xf32, #tpu.memory_space<vmem>>)
    %dma_start3A_392 = arith.constant 35 : i32
    %dma_start3A_393 = arith.constant 0 : i32
    %dma_start3A_394 = tpu.memref_slice %arg5[%dma_start3A_392, %dma_start3A_393] : memref<50x128xi32, #tpu.memory_space<vmem>> -> memref<1x128xi32, #tpu.memory_space<vmem>>
    %dma_start3A_395 = tpu.memref_squeeze %dma_start3A_394 : memref<1x128xi32, #tpu.memory_space<vmem>> -> memref<128xi32, #tpu.memory_space<vmem>>
    %dma_start3A_396 = arith.constant 0 : i32
    %dma_start3A_397 = arith.constant 0 : i32
    %dma_start3A_398 = tpu.memref_slice %arg2[%dma_start3A_396, %dma_start3A_397] : memref<1000000x32xf32, #tpu.memory_space<hbm>> -> memref<1000000x32xf32, #tpu.memory_space<hbm>>
    tpu.enqueue_indirect_dma source(%dma_start3A_398 : memref<1000000x32xf32, #tpu.memory_space<hbm>>) target(%arg6 : memref<128x32xf32, #tpu.memory_space<vmem>>) offsets(%dma_start3A_395 : memref<128xi32, #tpu.memory_space<vmem>>) semaphore(%arg8 : memref<!tpu.dma_semaphore, #tpu.memory_space<semaphore_mem>>) {add = true}
    %dma_wait3A_399 = arith.constant 0 : i32
    %dma_wait3A_400 = arith.constant 0 : i32
    %dma_wait3A_401 = tpu.memref_slice %arg5[%dma_wait3A_399, %dma_wait3A_400] : memref<50x128xi32, #tpu.memory_space<vmem>> -> memref<1x128xi32, #tpu.memory_space<vmem>>
    %dma_wait3A_402 = tpu.memref_squeeze %dma_wait3A_401 : memref<1x128xi32, #tpu.memory_space<vmem>> -> memref<128xi32, #tpu.memory_space<vmem>>
    %dma_wait3A_403 = arith.constant 0 : i32
    %dma_wait3A_404 = arith.constant 0 : i32
    %dma_wait3A_405 = tpu.memref_slice %arg2[%dma_wait3A_403, %dma_wait3A_404] : memref<1000000x32xf32, #tpu.memory_space<hbm>> -> memref<1000000x32xf32, #tpu.memory_space<hbm>>
    tpu.wait_indirect_dma semaphore(%arg8 : memref<!tpu.dma_semaphore, #tpu.memory_space<semaphore_mem>>) src(%dma_wait3A_405 : memref<1000000x32xf32, #tpu.memory_space<hbm>>) dst(%arg6 : memref<128x32xf32, #tpu.memory_space<vmem>>)
    %dma_start3A_406 = arith.constant 36 : i32
    %dma_start3A_407 = arith.constant 0 : i32
    %dma_start3A_408 = tpu.memref_slice %arg5[%dma_start3A_406, %dma_start3A_407] : memref<50x128xi32, #tpu.memory_space<vmem>> -> memref<1x128xi32, #tpu.memory_space<vmem>>
    %dma_start3A_409 = tpu.memref_squeeze %dma_start3A_408 : memref<1x128xi32, #tpu.memory_space<vmem>> -> memref<128xi32, #tpu.memory_space<vmem>>
    %dma_start3A_410 = arith.constant 0 : i32
    %dma_start3A_411 = arith.constant 0 : i32
    %dma_start3A_412 = tpu.memref_slice %arg2[%dma_start3A_410, %dma_start3A_411] : memref<1000000x32xf32, #tpu.memory_space<hbm>> -> memref<1000000x32xf32, #tpu.memory_space<hbm>>
    tpu.enqueue_indirect_dma source(%dma_start3A_412 : memref<1000000x32xf32, #tpu.memory_space<hbm>>) target(%arg6 : memref<128x32xf32, #tpu.memory_space<vmem>>) offsets(%dma_start3A_409 : memref<128xi32, #tpu.memory_space<vmem>>) semaphore(%arg8 : memref<!tpu.dma_semaphore, #tpu.memory_space<semaphore_mem>>) {add = true}
    %dma_wait3A_413 = arith.constant 0 : i32
    %dma_wait3A_414 = arith.constant 0 : i32
    %dma_wait3A_415 = tpu.memref_slice %arg5[%dma_wait3A_413, %dma_wait3A_414] : memref<50x128xi32, #tpu.memory_space<vmem>> -> memref<1x128xi32, #tpu.memory_space<vmem>>
    %dma_wait3A_416 = tpu.memref_squeeze %dma_wait3A_415 : memref<1x128xi32, #tpu.memory_space<vmem>> -> memref<128xi32, #tpu.memory_space<vmem>>
    %dma_wait3A_417 = arith.constant 0 : i32
    %dma_wait3A_418 = arith.constant 0 : i32
    %dma_wait3A_419 = tpu.memref_slice %arg2[%dma_wait3A_417, %dma_wait3A_418] : memref<1000000x32xf32, #tpu.memory_space<hbm>> -> memref<1000000x32xf32, #tpu.memory_space<hbm>>
    tpu.wait_indirect_dma semaphore(%arg8 : memref<!tpu.dma_semaphore, #tpu.memory_space<semaphore_mem>>) src(%dma_wait3A_419 : memref<1000000x32xf32, #tpu.memory_space<hbm>>) dst(%arg6 : memref<128x32xf32, #tpu.memory_space<vmem>>)
    %dma_start3A_420 = arith.constant 37 : i32
    %dma_start3A_421 = arith.constant 0 : i32
    %dma_start3A_422 = tpu.memref_slice %arg5[%dma_start3A_420, %dma_start3A_421] : memref<50x128xi32, #tpu.memory_space<vmem>> -> memref<1x128xi32, #tpu.memory_space<vmem>>
    %dma_start3A_423 = tpu.memref_squeeze %dma_start3A_422 : memref<1x128xi32, #tpu.memory_space<vmem>> -> memref<128xi32, #tpu.memory_space<vmem>>
    %dma_start3A_424 = arith.constant 0 : i32
    %dma_start3A_425 = arith.constant 0 : i32
    %dma_start3A_426 = tpu.memref_slice %arg2[%dma_start3A_424, %dma_start3A_425] : memref<1000000x32xf32, #tpu.memory_space<hbm>> -> memref<1000000x32xf32, #tpu.memory_space<hbm>>
    tpu.enqueue_indirect_dma source(%dma_start3A_426 : memref<1000000x32xf32, #tpu.memory_space<hbm>>) target(%arg6 : memref<128x32xf32, #tpu.memory_space<vmem>>) offsets(%dma_start3A_423 : memref<128xi32, #tpu.memory_space<vmem>>) semaphore(%arg8 : memref<!tpu.dma_semaphore, #tpu.memory_space<semaphore_mem>>) {add = true}
    %dma_wait3A_427 = arith.constant 0 : i32
    %dma_wait3A_428 = arith.constant 0 : i32
    %dma_wait3A_429 = tpu.memref_slice %arg5[%dma_wait3A_427, %dma_wait3A_428] : memref<50x128xi32, #tpu.memory_space<vmem>> -> memref<1x128xi32, #tpu.memory_space<vmem>>
    %dma_wait3A_430 = tpu.memref_squeeze %dma_wait3A_429 : memref<1x128xi32, #tpu.memory_space<vmem>> -> memref<128xi32, #tpu.memory_space<vmem>>
    %dma_wait3A_431 = arith.constant 0 : i32
    %dma_wait3A_432 = arith.constant 0 : i32
    %dma_wait3A_433 = tpu.memref_slice %arg2[%dma_wait3A_431, %dma_wait3A_432] : memref<1000000x32xf32, #tpu.memory_space<hbm>> -> memref<1000000x32xf32, #tpu.memory_space<hbm>>
    tpu.wait_indirect_dma semaphore(%arg8 : memref<!tpu.dma_semaphore, #tpu.memory_space<semaphore_mem>>) src(%dma_wait3A_433 : memref<1000000x32xf32, #tpu.memory_space<hbm>>) dst(%arg6 : memref<128x32xf32, #tpu.memory_space<vmem>>)
    %dma_start3A_434 = arith.constant 38 : i32
    %dma_start3A_435 = arith.constant 0 : i32
    %dma_start3A_436 = tpu.memref_slice %arg5[%dma_start3A_434, %dma_start3A_435] : memref<50x128xi32, #tpu.memory_space<vmem>> -> memref<1x128xi32, #tpu.memory_space<vmem>>
    %dma_start3A_437 = tpu.memref_squeeze %dma_start3A_436 : memref<1x128xi32, #tpu.memory_space<vmem>> -> memref<128xi32, #tpu.memory_space<vmem>>
    %dma_start3A_438 = arith.constant 0 : i32
    %dma_start3A_439 = arith.constant 0 : i32
    %dma_start3A_440 = tpu.memref_slice %arg2[%dma_start3A_438, %dma_start3A_439] : memref<1000000x32xf32, #tpu.memory_space<hbm>> -> memref<1000000x32xf32, #tpu.memory_space<hbm>>
    tpu.enqueue_indirect_dma source(%dma_start3A_440 : memref<1000000x32xf32, #tpu.memory_space<hbm>>) target(%arg6 : memref<128x32xf32, #tpu.memory_space<vmem>>) offsets(%dma_start3A_437 : memref<128xi32, #tpu.memory_space<vmem>>) semaphore(%arg8 : memref<!tpu.dma_semaphore, #tpu.memory_space<semaphore_mem>>) {add = true}
    %dma_wait3A_441 = arith.constant 0 : i32
    %dma_wait3A_442 = arith.constant 0 : i32
    %dma_wait3A_443 = tpu.memref_slice %arg5[%dma_wait3A_441, %dma_wait3A_442] : memref<50x128xi32, #tpu.memory_space<vmem>> -> memref<1x128xi32, #tpu.memory_space<vmem>>
    %dma_wait3A_444 = tpu.memref_squeeze %dma_wait3A_443 : memref<1x128xi32, #tpu.memory_space<vmem>> -> memref<128xi32, #tpu.memory_space<vmem>>
    %dma_wait3A_445 = arith.constant 0 : i32
    %dma_wait3A_446 = arith.constant 0 : i32
    %dma_wait3A_447 = tpu.memref_slice %arg2[%dma_wait3A_445, %dma_wait3A_446] : memref<1000000x32xf32, #tpu.memory_space<hbm>> -> memref<1000000x32xf32, #tpu.memory_space<hbm>>
    tpu.wait_indirect_dma semaphore(%arg8 : memref<!tpu.dma_semaphore, #tpu.memory_space<semaphore_mem>>) src(%dma_wait3A_447 : memref<1000000x32xf32, #tpu.memory_space<hbm>>) dst(%arg6 : memref<128x32xf32, #tpu.memory_space<vmem>>)
    %dma_start3A_448 = arith.constant 39 : i32
    %dma_start3A_449 = arith.constant 0 : i32
    %dma_start3A_450 = tpu.memref_slice %arg5[%dma_start3A_448, %dma_start3A_449] : memref<50x128xi32, #tpu.memory_space<vmem>> -> memref<1x128xi32, #tpu.memory_space<vmem>>
    %dma_start3A_451 = tpu.memref_squeeze %dma_start3A_450 : memref<1x128xi32, #tpu.memory_space<vmem>> -> memref<128xi32, #tpu.memory_space<vmem>>
    %dma_start3A_452 = arith.constant 0 : i32
    %dma_start3A_453 = arith.constant 0 : i32
    %dma_start3A_454 = tpu.memref_slice %arg2[%dma_start3A_452, %dma_start3A_453] : memref<1000000x32xf32, #tpu.memory_space<hbm>> -> memref<1000000x32xf32, #tpu.memory_space<hbm>>
    tpu.enqueue_indirect_dma source(%dma_start3A_454 : memref<1000000x32xf32, #tpu.memory_space<hbm>>) target(%arg6 : memref<128x32xf32, #tpu.memory_space<vmem>>) offsets(%dma_start3A_451 : memref<128xi32, #tpu.memory_space<vmem>>) semaphore(%arg8 : memref<!tpu.dma_semaphore, #tpu.memory_space<semaphore_mem>>) {add = true}
    %dma_wait3A_455 = arith.constant 0 : i32
    %dma_wait3A_456 = arith.constant 0 : i32
    %dma_wait3A_457 = tpu.memref_slice %arg5[%dma_wait3A_455, %dma_wait3A_456] : memref<50x128xi32, #tpu.memory_space<vmem>> -> memref<1x128xi32, #tpu.memory_space<vmem>>
    %dma_wait3A_458 = tpu.memref_squeeze %dma_wait3A_457 : memref<1x128xi32, #tpu.memory_space<vmem>> -> memref<128xi32, #tpu.memory_space<vmem>>
    %dma_wait3A_459 = arith.constant 0 : i32
    %dma_wait3A_460 = arith.constant 0 : i32
    %dma_wait3A_461 = tpu.memref_slice %arg2[%dma_wait3A_459, %dma_wait3A_460] : memref<1000000x32xf32, #tpu.memory_space<hbm>> -> memref<1000000x32xf32, #tpu.memory_space<hbm>>
    tpu.wait_indirect_dma semaphore(%arg8 : memref<!tpu.dma_semaphore, #tpu.memory_space<semaphore_mem>>) src(%dma_wait3A_461 : memref<1000000x32xf32, #tpu.memory_space<hbm>>) dst(%arg6 : memref<128x32xf32, #tpu.memory_space<vmem>>)
    %dma_start3A_462 = arith.constant 40 : i32
    %dma_start3A_463 = arith.constant 0 : i32
    %dma_start3A_464 = tpu.memref_slice %arg5[%dma_start3A_462, %dma_start3A_463] : memref<50x128xi32, #tpu.memory_space<vmem>> -> memref<1x128xi32, #tpu.memory_space<vmem>>
    %dma_start3A_465 = tpu.memref_squeeze %dma_start3A_464 : memref<1x128xi32, #tpu.memory_space<vmem>> -> memref<128xi32, #tpu.memory_space<vmem>>
    %dma_start3A_466 = arith.constant 0 : i32
    %dma_start3A_467 = arith.constant 0 : i32
    %dma_start3A_468 = tpu.memref_slice %arg2[%dma_start3A_466, %dma_start3A_467] : memref<1000000x32xf32, #tpu.memory_space<hbm>> -> memref<1000000x32xf32, #tpu.memory_space<hbm>>
    tpu.enqueue_indirect_dma source(%dma_start3A_468 : memref<1000000x32xf32, #tpu.memory_space<hbm>>) target(%arg6 : memref<128x32xf32, #tpu.memory_space<vmem>>) offsets(%dma_start3A_465 : memref<128xi32, #tpu.memory_space<vmem>>) semaphore(%arg8 : memref<!tpu.dma_semaphore, #tpu.memory_space<semaphore_mem>>) {add = true}
    %dma_wait3A_469 = arith.constant 0 : i32
    %dma_wait3A_470 = arith.constant 0 : i32
    %dma_wait3A_471 = tpu.memref_slice %arg5[%dma_wait3A_469, %dma_wait3A_470] : memref<50x128xi32, #tpu.memory_space<vmem>> -> memref<1x128xi32, #tpu.memory_space<vmem>>
    %dma_wait3A_472 = tpu.memref_squeeze %dma_wait3A_471 : memref<1x128xi32, #tpu.memory_space<vmem>> -> memref<128xi32, #tpu.memory_space<vmem>>
    %dma_wait3A_473 = arith.constant 0 : i32
    %dma_wait3A_474 = arith.constant 0 : i32
    %dma_wait3A_475 = tpu.memref_slice %arg2[%dma_wait3A_473, %dma_wait3A_474] : memref<1000000x32xf32, #tpu.memory_space<hbm>> -> memref<1000000x32xf32, #tpu.memory_space<hbm>>
    tpu.wait_indirect_dma semaphore(%arg8 : memref<!tpu.dma_semaphore, #tpu.memory_space<semaphore_mem>>) src(%dma_wait3A_475 : memref<1000000x32xf32, #tpu.memory_space<hbm>>) dst(%arg6 : memref<128x32xf32, #tpu.memory_space<vmem>>)
    %dma_start3A_476 = arith.constant 41 : i32
    %dma_start3A_477 = arith.constant 0 : i32
    %dma_start3A_478 = tpu.memref_slice %arg5[%dma_start3A_476, %dma_start3A_477] : memref<50x128xi32, #tpu.memory_space<vmem>> -> memref<1x128xi32, #tpu.memory_space<vmem>>
    %dma_start3A_479 = tpu.memref_squeeze %dma_start3A_478 : memref<1x128xi32, #tpu.memory_space<vmem>> -> memref<128xi32, #tpu.memory_space<vmem>>
    %dma_start3A_480 = arith.constant 0 : i32
    %dma_start3A_481 = arith.constant 0 : i32
    %dma_start3A_482 = tpu.memref_slice %arg2[%dma_start3A_480, %dma_start3A_481] : memref<1000000x32xf32, #tpu.memory_space<hbm>> -> memref<1000000x32xf32, #tpu.memory_space<hbm>>
    tpu.enqueue_indirect_dma source(%dma_start3A_482 : memref<1000000x32xf32, #tpu.memory_space<hbm>>) target(%arg6 : memref<128x32xf32, #tpu.memory_space<vmem>>) offsets(%dma_start3A_479 : memref<128xi32, #tpu.memory_space<vmem>>) semaphore(%arg8 : memref<!tpu.dma_semaphore, #tpu.memory_space<semaphore_mem>>) {add = true}
    %dma_wait3A_483 = arith.constant 0 : i32
    %dma_wait3A_484 = arith.constant 0 : i32
    %dma_wait3A_485 = tpu.memref_slice %arg5[%dma_wait3A_483, %dma_wait3A_484] : memref<50x128xi32, #tpu.memory_space<vmem>> -> memref<1x128xi32, #tpu.memory_space<vmem>>
    %dma_wait3A_486 = tpu.memref_squeeze %dma_wait3A_485 : memref<1x128xi32, #tpu.memory_space<vmem>> -> memref<128xi32, #tpu.memory_space<vmem>>
    %dma_wait3A_487 = arith.constant 0 : i32
    %dma_wait3A_488 = arith.constant 0 : i32
    %dma_wait3A_489 = tpu.memref_slice %arg2[%dma_wait3A_487, %dma_wait3A_488] : memref<1000000x32xf32, #tpu.memory_space<hbm>> -> memref<1000000x32xf32, #tpu.memory_space<hbm>>
    tpu.wait_indirect_dma semaphore(%arg8 : memref<!tpu.dma_semaphore, #tpu.memory_space<semaphore_mem>>) src(%dma_wait3A_489 : memref<1000000x32xf32, #tpu.memory_space<hbm>>) dst(%arg6 : memref<128x32xf32, #tpu.memory_space<vmem>>)
    %dma_start3A_490 = arith.constant 42 : i32
    %dma_start3A_491 = arith.constant 0 : i32
    %dma_start3A_492 = tpu.memref_slice %arg5[%dma_start3A_490, %dma_start3A_491] : memref<50x128xi32, #tpu.memory_space<vmem>> -> memref<1x128xi32, #tpu.memory_space<vmem>>
    %dma_start3A_493 = tpu.memref_squeeze %dma_start3A_492 : memref<1x128xi32, #tpu.memory_space<vmem>> -> memref<128xi32, #tpu.memory_space<vmem>>
    %dma_start3A_494 = arith.constant 0 : i32
    %dma_start3A_495 = arith.constant 0 : i32
    %dma_start3A_496 = tpu.memref_slice %arg2[%dma_start3A_494, %dma_start3A_495] : memref<1000000x32xf32, #tpu.memory_space<hbm>> -> memref<1000000x32xf32, #tpu.memory_space<hbm>>
    tpu.enqueue_indirect_dma source(%dma_start3A_496 : memref<1000000x32xf32, #tpu.memory_space<hbm>>) target(%arg6 : memref<128x32xf32, #tpu.memory_space<vmem>>) offsets(%dma_start3A_493 : memref<128xi32, #tpu.memory_space<vmem>>) semaphore(%arg8 : memref<!tpu.dma_semaphore, #tpu.memory_space<semaphore_mem>>) {add = true}
    %dma_wait3A_497 = arith.constant 0 : i32
    %dma_wait3A_498 = arith.constant 0 : i32
    %dma_wait3A_499 = tpu.memref_slice %arg5[%dma_wait3A_497, %dma_wait3A_498] : memref<50x128xi32, #tpu.memory_space<vmem>> -> memref<1x128xi32, #tpu.memory_space<vmem>>
    %dma_wait3A_500 = tpu.memref_squeeze %dma_wait3A_499 : memref<1x128xi32, #tpu.memory_space<vmem>> -> memref<128xi32, #tpu.memory_space<vmem>>
    %dma_wait3A_501 = arith.constant 0 : i32
    %dma_wait3A_502 = arith.constant 0 : i32
    %dma_wait3A_503 = tpu.memref_slice %arg2[%dma_wait3A_501, %dma_wait3A_502] : memref<1000000x32xf32, #tpu.memory_space<hbm>> -> memref<1000000x32xf32, #tpu.memory_space<hbm>>
    tpu.wait_indirect_dma semaphore(%arg8 : memref<!tpu.dma_semaphore, #tpu.memory_space<semaphore_mem>>) src(%dma_wait3A_503 : memref<1000000x32xf32, #tpu.memory_space<hbm>>) dst(%arg6 : memref<128x32xf32, #tpu.memory_space<vmem>>)
    %dma_start3A_504 = arith.constant 43 : i32
    %dma_start3A_505 = arith.constant 0 : i32
    %dma_start3A_506 = tpu.memref_slice %arg5[%dma_start3A_504, %dma_start3A_505] : memref<50x128xi32, #tpu.memory_space<vmem>> -> memref<1x128xi32, #tpu.memory_space<vmem>>
    %dma_start3A_507 = tpu.memref_squeeze %dma_start3A_506 : memref<1x128xi32, #tpu.memory_space<vmem>> -> memref<128xi32, #tpu.memory_space<vmem>>
    %dma_start3A_508 = arith.constant 0 : i32
    %dma_start3A_509 = arith.constant 0 : i32
    %dma_start3A_510 = tpu.memref_slice %arg2[%dma_start3A_508, %dma_start3A_509] : memref<1000000x32xf32, #tpu.memory_space<hbm>> -> memref<1000000x32xf32, #tpu.memory_space<hbm>>
    tpu.enqueue_indirect_dma source(%dma_start3A_510 : memref<1000000x32xf32, #tpu.memory_space<hbm>>) target(%arg6 : memref<128x32xf32, #tpu.memory_space<vmem>>) offsets(%dma_start3A_507 : memref<128xi32, #tpu.memory_space<vmem>>) semaphore(%arg8 : memref<!tpu.dma_semaphore, #tpu.memory_space<semaphore_mem>>) {add = true}
    %dma_wait3A_511 = arith.constant 0 : i32
    %dma_wait3A_512 = arith.constant 0 : i32
    %dma_wait3A_513 = tpu.memref_slice %arg5[%dma_wait3A_511, %dma_wait3A_512] : memref<50x128xi32, #tpu.memory_space<vmem>> -> memref<1x128xi32, #tpu.memory_space<vmem>>
    %dma_wait3A_514 = tpu.memref_squeeze %dma_wait3A_513 : memref<1x128xi32, #tpu.memory_space<vmem>> -> memref<128xi32, #tpu.memory_space<vmem>>
    %dma_wait3A_515 = arith.constant 0 : i32
    %dma_wait3A_516 = arith.constant 0 : i32
    %dma_wait3A_517 = tpu.memref_slice %arg2[%dma_wait3A_515, %dma_wait3A_516] : memref<1000000x32xf32, #tpu.memory_space<hbm>> -> memref<1000000x32xf32, #tpu.memory_space<hbm>>
    tpu.wait_indirect_dma semaphore(%arg8 : memref<!tpu.dma_semaphore, #tpu.memory_space<semaphore_mem>>) src(%dma_wait3A_517 : memref<1000000x32xf32, #tpu.memory_space<hbm>>) dst(%arg6 : memref<128x32xf32, #tpu.memory_space<vmem>>)
    %dma_start3A_518 = arith.constant 44 : i32
    %dma_start3A_519 = arith.constant 0 : i32
    %dma_start3A_520 = tpu.memref_slice %arg5[%dma_start3A_518, %dma_start3A_519] : memref<50x128xi32, #tpu.memory_space<vmem>> -> memref<1x128xi32, #tpu.memory_space<vmem>>
    %dma_start3A_521 = tpu.memref_squeeze %dma_start3A_520 : memref<1x128xi32, #tpu.memory_space<vmem>> -> memref<128xi32, #tpu.memory_space<vmem>>
    %dma_start3A_522 = arith.constant 0 : i32
    %dma_start3A_523 = arith.constant 0 : i32
    %dma_start3A_524 = tpu.memref_slice %arg2[%dma_start3A_522, %dma_start3A_523] : memref<1000000x32xf32, #tpu.memory_space<hbm>> -> memref<1000000x32xf32, #tpu.memory_space<hbm>>
    tpu.enqueue_indirect_dma source(%dma_start3A_524 : memref<1000000x32xf32, #tpu.memory_space<hbm>>) target(%arg6 : memref<128x32xf32, #tpu.memory_space<vmem>>) offsets(%dma_start3A_521 : memref<128xi32, #tpu.memory_space<vmem>>) semaphore(%arg8 : memref<!tpu.dma_semaphore, #tpu.memory_space<semaphore_mem>>) {add = true}
    %dma_wait3A_525 = arith.constant 0 : i32
    %dma_wait3A_526 = arith.constant 0 : i32
    %dma_wait3A_527 = tpu.memref_slice %arg5[%dma_wait3A_525, %dma_wait3A_526] : memref<50x128xi32, #tpu.memory_space<vmem>> -> memref<1x128xi32, #tpu.memory_space<vmem>>
    %dma_wait3A_528 = tpu.memref_squeeze %dma_wait3A_527 : memref<1x128xi32, #tpu.memory_space<vmem>> -> memref<128xi32, #tpu.memory_space<vmem>>
    %dma_wait3A_529 = arith.constant 0 : i32
    %dma_wait3A_530 = arith.constant 0 : i32
    %dma_wait3A_531 = tpu.memref_slice %arg2[%dma_wait3A_529, %dma_wait3A_530] : memref<1000000x32xf32, #tpu.memory_space<hbm>> -> memref<1000000x32xf32, #tpu.memory_space<hbm>>
    tpu.wait_indirect_dma semaphore(%arg8 : memref<!tpu.dma_semaphore, #tpu.memory_space<semaphore_mem>>) src(%dma_wait3A_531 : memref<1000000x32xf32, #tpu.memory_space<hbm>>) dst(%arg6 : memref<128x32xf32, #tpu.memory_space<vmem>>)
    %dma_start3A_532 = arith.constant 45 : i32
    %dma_start3A_533 = arith.constant 0 : i32
    %dma_start3A_534 = tpu.memref_slice %arg5[%dma_start3A_532, %dma_start3A_533] : memref<50x128xi32, #tpu.memory_space<vmem>> -> memref<1x128xi32, #tpu.memory_space<vmem>>
    %dma_start3A_535 = tpu.memref_squeeze %dma_start3A_534 : memref<1x128xi32, #tpu.memory_space<vmem>> -> memref<128xi32, #tpu.memory_space<vmem>>
    %dma_start3A_536 = arith.constant 0 : i32
    %dma_start3A_537 = arith.constant 0 : i32
    %dma_start3A_538 = tpu.memref_slice %arg2[%dma_start3A_536, %dma_start3A_537] : memref<1000000x32xf32, #tpu.memory_space<hbm>> -> memref<1000000x32xf32, #tpu.memory_space<hbm>>
    tpu.enqueue_indirect_dma source(%dma_start3A_538 : memref<1000000x32xf32, #tpu.memory_space<hbm>>) target(%arg6 : memref<128x32xf32, #tpu.memory_space<vmem>>) offsets(%dma_start3A_535 : memref<128xi32, #tpu.memory_space<vmem>>) semaphore(%arg8 : memref<!tpu.dma_semaphore, #tpu.memory_space<semaphore_mem>>) {add = true}
    %dma_wait3A_539 = arith.constant 0 : i32
    %dma_wait3A_540 = arith.constant 0 : i32
    %dma_wait3A_541 = tpu.memref_slice %arg5[%dma_wait3A_539, %dma_wait3A_540] : memref<50x128xi32, #tpu.memory_space<vmem>> -> memref<1x128xi32, #tpu.memory_space<vmem>>
    %dma_wait3A_542 = tpu.memref_squeeze %dma_wait3A_541 : memref<1x128xi32, #tpu.memory_space<vmem>> -> memref<128xi32, #tpu.memory_space<vmem>>
    %dma_wait3A_543 = arith.constant 0 : i32
    %dma_wait3A_544 = arith.constant 0 : i32
    %dma_wait3A_545 = tpu.memref_slice %arg2[%dma_wait3A_543, %dma_wait3A_544] : memref<1000000x32xf32, #tpu.memory_space<hbm>> -> memref<1000000x32xf32, #tpu.memory_space<hbm>>
    tpu.wait_indirect_dma semaphore(%arg8 : memref<!tpu.dma_semaphore, #tpu.memory_space<semaphore_mem>>) src(%dma_wait3A_545 : memref<1000000x32xf32, #tpu.memory_space<hbm>>) dst(%arg6 : memref<128x32xf32, #tpu.memory_space<vmem>>)
    %dma_start3A_546 = arith.constant 46 : i32
    %dma_start3A_547 = arith.constant 0 : i32
    %dma_start3A_548 = tpu.memref_slice %arg5[%dma_start3A_546, %dma_start3A_547] : memref<50x128xi32, #tpu.memory_space<vmem>> -> memref<1x128xi32, #tpu.memory_space<vmem>>
    %dma_start3A_549 = tpu.memref_squeeze %dma_start3A_548 : memref<1x128xi32, #tpu.memory_space<vmem>> -> memref<128xi32, #tpu.memory_space<vmem>>
    %dma_start3A_550 = arith.constant 0 : i32
    %dma_start3A_551 = arith.constant 0 : i32
    %dma_start3A_552 = tpu.memref_slice %arg2[%dma_start3A_550, %dma_start3A_551] : memref<1000000x32xf32, #tpu.memory_space<hbm>> -> memref<1000000x32xf32, #tpu.memory_space<hbm>>
    tpu.enqueue_indirect_dma source(%dma_start3A_552 : memref<1000000x32xf32, #tpu.memory_space<hbm>>) target(%arg6 : memref<128x32xf32, #tpu.memory_space<vmem>>) offsets(%dma_start3A_549 : memref<128xi32, #tpu.memory_space<vmem>>) semaphore(%arg8 : memref<!tpu.dma_semaphore, #tpu.memory_space<semaphore_mem>>) {add = true}
    %dma_wait3A_553 = arith.constant 0 : i32
    %dma_wait3A_554 = arith.constant 0 : i32
    %dma_wait3A_555 = tpu.memref_slice %arg5[%dma_wait3A_553, %dma_wait3A_554] : memref<50x128xi32, #tpu.memory_space<vmem>> -> memref<1x128xi32, #tpu.memory_space<vmem>>
    %dma_wait3A_556 = tpu.memref_squeeze %dma_wait3A_555 : memref<1x128xi32, #tpu.memory_space<vmem>> -> memref<128xi32, #tpu.memory_space<vmem>>
    %dma_wait3A_557 = arith.constant 0 : i32
    %dma_wait3A_558 = arith.constant 0 : i32
    %dma_wait3A_559 = tpu.memref_slice %arg2[%dma_wait3A_557, %dma_wait3A_558] : memref<1000000x32xf32, #tpu.memory_space<hbm>> -> memref<1000000x32xf32, #tpu.memory_space<hbm>>
    tpu.wait_indirect_dma semaphore(%arg8 : memref<!tpu.dma_semaphore, #tpu.memory_space<semaphore_mem>>) src(%dma_wait3A_559 : memref<1000000x32xf32, #tpu.memory_space<hbm>>) dst(%arg6 : memref<128x32xf32, #tpu.memory_space<vmem>>)
    %dma_start3A_560 = arith.constant 47 : i32
    %dma_start3A_561 = arith.constant 0 : i32
    %dma_start3A_562 = tpu.memref_slice %arg5[%dma_start3A_560, %dma_start3A_561] : memref<50x128xi32, #tpu.memory_space<vmem>> -> memref<1x128xi32, #tpu.memory_space<vmem>>
    %dma_start3A_563 = tpu.memref_squeeze %dma_start3A_562 : memref<1x128xi32, #tpu.memory_space<vmem>> -> memref<128xi32, #tpu.memory_space<vmem>>
    %dma_start3A_564 = arith.constant 0 : i32
    %dma_start3A_565 = arith.constant 0 : i32
    %dma_start3A_566 = tpu.memref_slice %arg2[%dma_start3A_564, %dma_start3A_565] : memref<1000000x32xf32, #tpu.memory_space<hbm>> -> memref<1000000x32xf32, #tpu.memory_space<hbm>>
    tpu.enqueue_indirect_dma source(%dma_start3A_566 : memref<1000000x32xf32, #tpu.memory_space<hbm>>) target(%arg6 : memref<128x32xf32, #tpu.memory_space<vmem>>) offsets(%dma_start3A_563 : memref<128xi32, #tpu.memory_space<vmem>>) semaphore(%arg8 : memref<!tpu.dma_semaphore, #tpu.memory_space<semaphore_mem>>) {add = true}
    %dma_wait3A_567 = arith.constant 0 : i32
    %dma_wait3A_568 = arith.constant 0 : i32
    %dma_wait3A_569 = tpu.memref_slice %arg5[%dma_wait3A_567, %dma_wait3A_568] : memref<50x128xi32, #tpu.memory_space<vmem>> -> memref<1x128xi32, #tpu.memory_space<vmem>>
    %dma_wait3A_570 = tpu.memref_squeeze %dma_wait3A_569 : memref<1x128xi32, #tpu.memory_space<vmem>> -> memref<128xi32, #tpu.memory_space<vmem>>
    %dma_wait3A_571 = arith.constant 0 : i32
    %dma_wait3A_572 = arith.constant 0 : i32
    %dma_wait3A_573 = tpu.memref_slice %arg2[%dma_wait3A_571, %dma_wait3A_572] : memref<1000000x32xf32, #tpu.memory_space<hbm>> -> memref<1000000x32xf32, #tpu.memory_space<hbm>>
    tpu.wait_indirect_dma semaphore(%arg8 : memref<!tpu.dma_semaphore, #tpu.memory_space<semaphore_mem>>) src(%dma_wait3A_573 : memref<1000000x32xf32, #tpu.memory_space<hbm>>) dst(%arg6 : memref<128x32xf32, #tpu.memory_space<vmem>>)
    %dma_start3A_574 = arith.constant 48 : i32
    %dma_start3A_575 = arith.constant 0 : i32
    %dma_start3A_576 = tpu.memref_slice %arg5[%dma_start3A_574, %dma_start3A_575] : memref<50x128xi32, #tpu.memory_space<vmem>> -> memref<1x128xi32, #tpu.memory_space<vmem>>
    %dma_start3A_577 = tpu.memref_squeeze %dma_start3A_576 : memref<1x128xi32, #tpu.memory_space<vmem>> -> memref<128xi32, #tpu.memory_space<vmem>>
    %dma_start3A_578 = arith.constant 0 : i32
    %dma_start3A_579 = arith.constant 0 : i32
    %dma_start3A_580 = tpu.memref_slice %arg2[%dma_start3A_578, %dma_start3A_579] : memref<1000000x32xf32, #tpu.memory_space<hbm>> -> memref<1000000x32xf32, #tpu.memory_space<hbm>>
    tpu.enqueue_indirect_dma source(%dma_start3A_580 : memref<1000000x32xf32, #tpu.memory_space<hbm>>) target(%arg6 : memref<128x32xf32, #tpu.memory_space<vmem>>) offsets(%dma_start3A_577 : memref<128xi32, #tpu.memory_space<vmem>>) semaphore(%arg8 : memref<!tpu.dma_semaphore, #tpu.memory_space<semaphore_mem>>) {add = true}
    %dma_wait3A_581 = arith.constant 0 : i32
    %dma_wait3A_582 = arith.constant 0 : i32
    %dma_wait3A_583 = tpu.memref_slice %arg5[%dma_wait3A_581, %dma_wait3A_582] : memref<50x128xi32, #tpu.memory_space<vmem>> -> memref<1x128xi32, #tpu.memory_space<vmem>>
    %dma_wait3A_584 = tpu.memref_squeeze %dma_wait3A_583 : memref<1x128xi32, #tpu.memory_space<vmem>> -> memref<128xi32, #tpu.memory_space<vmem>>
    %dma_wait3A_585 = arith.constant 0 : i32
    %dma_wait3A_586 = arith.constant 0 : i32
    %dma_wait3A_587 = tpu.memref_slice %arg2[%dma_wait3A_585, %dma_wait3A_586] : memref<1000000x32xf32, #tpu.memory_space<hbm>> -> memref<1000000x32xf32, #tpu.memory_space<hbm>>
    tpu.wait_indirect_dma semaphore(%arg8 : memref<!tpu.dma_semaphore, #tpu.memory_space<semaphore_mem>>) src(%dma_wait3A_587 : memref<1000000x32xf32, #tpu.memory_space<hbm>>) dst(%arg6 : memref<128x32xf32, #tpu.memory_space<vmem>>)
    %dma_start3A_588 = arith.constant 49 : i32
    %dma_start3A_589 = arith.constant 0 : i32
    %dma_start3A_590 = tpu.memref_slice %arg5[%dma_start3A_588, %dma_start3A_589] : memref<50x128xi32, #tpu.memory_space<vmem>> -> memref<1x128xi32, #tpu.memory_space<vmem>>
    %dma_start3A_591 = tpu.memref_squeeze %dma_start3A_590 : memref<1x128xi32, #tpu.memory_space<vmem>> -> memref<128xi32, #tpu.memory_space<vmem>>
    %dma_start3A_592 = arith.constant 0 : i32
    %dma_start3A_593 = arith.constant 0 : i32
    %dma_start3A_594 = tpu.memref_slice %arg2[%dma_start3A_592, %dma_start3A_593] : memref<1000000x32xf32, #tpu.memory_space<hbm>> -> memref<1000000x32xf32, #tpu.memory_space<hbm>>
    tpu.enqueue_indirect_dma source(%dma_start3A_594 : memref<1000000x32xf32, #tpu.memory_space<hbm>>) target(%arg6 : memref<128x32xf32, #tpu.memory_space<vmem>>) offsets(%dma_start3A_591 : memref<128xi32, #tpu.memory_space<vmem>>) semaphore(%arg8 : memref<!tpu.dma_semaphore, #tpu.memory_space<semaphore_mem>>) {add = true}
    %dma_wait3A_595 = arith.constant 0 : i32
    %dma_wait3A_596 = arith.constant 0 : i32
    %dma_wait3A_597 = tpu.memref_slice %arg5[%dma_wait3A_595, %dma_wait3A_596] : memref<50x128xi32, #tpu.memory_space<vmem>> -> memref<1x128xi32, #tpu.memory_space<vmem>>
    %dma_wait3A_598 = tpu.memref_squeeze %dma_wait3A_597 : memref<1x128xi32, #tpu.memory_space<vmem>> -> memref<128xi32, #tpu.memory_space<vmem>>
    %dma_wait3A_599 = arith.constant 0 : i32
    %dma_wait3A_600 = arith.constant 0 : i32
    %dma_wait3A_601 = tpu.memref_slice %arg2[%dma_wait3A_599, %dma_wait3A_600] : memref<1000000x32xf32, #tpu.memory_space<hbm>> -> memref<1000000x32xf32, #tpu.memory_space<hbm>>
    tpu.wait_indirect_dma semaphore(%arg8 : memref<!tpu.dma_semaphore, #tpu.memory_space<semaphore_mem>>) src(%dma_wait3A_601 : memref<1000000x32xf32, #tpu.memory_space<hbm>>) dst(%arg6 : memref<128x32xf32, #tpu.memory_space<vmem>>)
    %dma_wait3A_602 = arith.constant 0 : i32
    %dma_wait3A_603 = arith.constant 0 : i32
    %dma_wait3A_604 = tpu.memref_slice %arg5[%dma_wait3A_602, %dma_wait3A_603] : memref<50x128xi32, #tpu.memory_space<vmem>> -> memref<1x128xi32, #tpu.memory_space<vmem>>
    %dma_wait3A_605 = tpu.memref_squeeze %dma_wait3A_604 : memref<1x128xi32, #tpu.memory_space<vmem>> -> memref<128xi32, #tpu.memory_space<vmem>>
    %dma_wait3A_606 = arith.constant 0 : i32
    %dma_wait3A_607 = arith.constant 0 : i32
    %dma_wait3A_608 = tpu.memref_slice %arg2[%dma_wait3A_606, %dma_wait3A_607] : memref<1000000x32xf32, #tpu.memory_space<hbm>> -> memref<1000000x32xf32, #tpu.memory_space<hbm>>
    tpu.wait_indirect_dma semaphore(%arg8 : memref<!tpu.dma_semaphore, #tpu.memory_space<semaphore_mem>>) src(%dma_wait3A_608 : memref<1000000x32xf32, #tpu.memory_space<hbm>>) dst(%arg6 : memref<128x32xf32, #tpu.memory_space<vmem>>)
    %dma_wait3A_609 = arith.constant 0 : i32
    %dma_wait3A_610 = arith.constant 0 : i32
    %dma_wait3A_611 = tpu.memref_slice %arg5[%dma_wait3A_609, %dma_wait3A_610] : memref<50x128xi32, #tpu.memory_space<vmem>> -> memref<1x128xi32, #tpu.memory_space<vmem>>
    %dma_wait3A_612 = tpu.memref_squeeze %dma_wait3A_611 : memref<1x128xi32, #tpu.memory_space<vmem>> -> memref<128xi32, #tpu.memory_space<vmem>>
    %dma_wait3A_613 = arith.constant 0 : i32
    %dma_wait3A_614 = arith.constant 0 : i32
    %dma_wait3A_615 = tpu.memref_slice %arg2[%dma_wait3A_613, %dma_wait3A_614] : memref<1000000x32xf32, #tpu.memory_space<hbm>> -> memref<1000000x32xf32, #tpu.memory_space<hbm>>
    tpu.wait_indirect_dma semaphore(%arg8 : memref<!tpu.dma_semaphore, #tpu.memory_space<semaphore_mem>>) src(%dma_wait3A_615 : memref<1000000x32xf32, #tpu.memory_space<hbm>>) dst(%arg6 : memref<128x32xf32, #tpu.memory_space<vmem>>)
    %dma_wait3A_616 = arith.constant 0 : i32
    %dma_wait3A_617 = arith.constant 0 : i32
    %dma_wait3A_618 = tpu.memref_slice %arg5[%dma_wait3A_616, %dma_wait3A_617] : memref<50x128xi32, #tpu.memory_space<vmem>> -> memref<1x128xi32, #tpu.memory_space<vmem>>
    %dma_wait3A_619 = tpu.memref_squeeze %dma_wait3A_618 : memref<1x128xi32, #tpu.memory_space<vmem>> -> memref<128xi32, #tpu.memory_space<vmem>>
    %dma_wait3A_620 = arith.constant 0 : i32
    %dma_wait3A_621 = arith.constant 0 : i32
    %dma_wait3A_622 = tpu.memref_slice %arg2[%dma_wait3A_620, %dma_wait3A_621] : memref<1000000x32xf32, #tpu.memory_space<hbm>> -> memref<1000000x32xf32, #tpu.memory_space<hbm>>
    tpu.wait_indirect_dma semaphore(%arg8 : memref<!tpu.dma_semaphore, #tpu.memory_space<semaphore_mem>>) src(%dma_wait3A_622 : memref<1000000x32xf32, #tpu.memory_space<hbm>>) dst(%arg6 : memref<128x32xf32, #tpu.memory_space<vmem>>)
    %dma_wait3A_623 = arith.constant 0 : i32
    %dma_wait3A_624 = arith.constant 0 : i32
    %dma_wait3A_625 = tpu.memref_slice %arg5[%dma_wait3A_623, %dma_wait3A_624] : memref<50x128xi32, #tpu.memory_space<vmem>> -> memref<1x128xi32, #tpu.memory_space<vmem>>
    %dma_wait3A_626 = tpu.memref_squeeze %dma_wait3A_625 : memref<1x128xi32, #tpu.memory_space<vmem>> -> memref<128xi32, #tpu.memory_space<vmem>>
    %dma_wait3A_627 = arith.constant 0 : i32
    %dma_wait3A_628 = arith.constant 0 : i32
    %dma_wait3A_629 = tpu.memref_slice %arg2[%dma_wait3A_627, %dma_wait3A_628] : memref<1000000x32xf32, #tpu.memory_space<hbm>> -> memref<1000000x32xf32, #tpu.memory_space<hbm>>
    tpu.wait_indirect_dma semaphore(%arg8 : memref<!tpu.dma_semaphore, #tpu.memory_space<semaphore_mem>>) src(%dma_wait3A_629 : memref<1000000x32xf32, #tpu.memory_space<hbm>>) dst(%arg6 : memref<128x32xf32, #tpu.memory_space<vmem>>)
    %dma_wait3A_630 = arith.constant 0 : i32
    %dma_wait3A_631 = arith.constant 0 : i32
    %dma_wait3A_632 = tpu.memref_slice %arg5[%dma_wait3A_630, %dma_wait3A_631] : memref<50x128xi32, #tpu.memory_space<vmem>> -> memref<1x128xi32, #tpu.memory_space<vmem>>
    %dma_wait3A_633 = tpu.memref_squeeze %dma_wait3A_632 : memref<1x128xi32, #tpu.memory_space<vmem>> -> memref<128xi32, #tpu.memory_space<vmem>>
    %dma_wait3A_634 = arith.constant 0 : i32
    %dma_wait3A_635 = arith.constant 0 : i32
    %dma_wait3A_636 = tpu.memref_slice %arg2[%dma_wait3A_634, %dma_wait3A_635] : memref<1000000x32xf32, #tpu.memory_space<hbm>> -> memref<1000000x32xf32, #tpu.memory_space<hbm>>
    tpu.wait_indirect_dma semaphore(%arg8 : memref<!tpu.dma_semaphore, #tpu.memory_space<semaphore_mem>>) src(%dma_wait3A_636 : memref<1000000x32xf32, #tpu.memory_space<hbm>>) dst(%arg6 : memref<128x32xf32, #tpu.memory_space<vmem>>)
    %dma_wait3A_637 = arith.constant 0 : i32
    %dma_wait3A_638 = arith.constant 0 : i32
    %dma_wait3A_639 = tpu.memref_slice %arg5[%dma_wait3A_637, %dma_wait3A_638] : memref<50x128xi32, #tpu.memory_space<vmem>> -> memref<1x128xi32, #tpu.memory_space<vmem>>
    %dma_wait3A_640 = tpu.memref_squeeze %dma_wait3A_639 : memref<1x128xi32, #tpu.memory_space<vmem>> -> memref<128xi32, #tpu.memory_space<vmem>>
    %dma_wait3A_641 = arith.constant 0 : i32
    %dma_wait3A_642 = arith.constant 0 : i32
    %dma_wait3A_643 = tpu.memref_slice %arg2[%dma_wait3A_641, %dma_wait3A_642] : memref<1000000x32xf32, #tpu.memory_space<hbm>> -> memref<1000000x32xf32, #tpu.memory_space<hbm>>
    tpu.wait_indirect_dma semaphore(%arg8 : memref<!tpu.dma_semaphore, #tpu.memory_space<semaphore_mem>>) src(%dma_wait3A_643 : memref<1000000x32xf32, #tpu.memory_space<hbm>>) dst(%arg6 : memref<128x32xf32, #tpu.memory_space<vmem>>)
    %dma_wait3A_644 = arith.constant 0 : i32
    %dma_wait3A_645 = arith.constant 0 : i32
    %dma_wait3A_646 = tpu.memref_slice %arg5[%dma_wait3A_644, %dma_wait3A_645] : memref<50x128xi32, #tpu.memory_space<vmem>> -> memref<1x128xi32, #tpu.memory_space<vmem>>
    %dma_wait3A_647 = tpu.memref_squeeze %dma_wait3A_646 : memref<1x128xi32, #tpu.memory_space<vmem>> -> memref<128xi32, #tpu.memory_space<vmem>>
    %dma_wait3A_648 = arith.constant 0 : i32
    %dma_wait3A_649 = arith.constant 0 : i32
    %dma_wait3A_650 = tpu.memref_slice %arg2[%dma_wait3A_648, %dma_wait3A_649] : memref<1000000x32xf32, #tpu.memory_space<hbm>> -> memref<1000000x32xf32, #tpu.memory_space<hbm>>
    tpu.wait_indirect_dma semaphore(%arg8 : memref<!tpu.dma_semaphore, #tpu.memory_space<semaphore_mem>>) src(%dma_wait3A_650 : memref<1000000x32xf32, #tpu.memory_space<hbm>>) dst(%arg6 : memref<128x32xf32, #tpu.memory_space<vmem>>)
    %dma_wait3A_651 = arith.constant 0 : i32
    %dma_wait3A_652 = arith.constant 0 : i32
    %dma_wait3A_653 = tpu.memref_slice %arg5[%dma_wait3A_651, %dma_wait3A_652] : memref<50x128xi32, #tpu.memory_space<vmem>> -> memref<1x128xi32, #tpu.memory_space<vmem>>
    %dma_wait3A_654 = tpu.memref_squeeze %dma_wait3A_653 : memref<1x128xi32, #tpu.memory_space<vmem>> -> memref<128xi32, #tpu.memory_space<vmem>>
    %dma_wait3A_655 = arith.constant 0 : i32
    %dma_wait3A_656 = arith.constant 0 : i32
    %dma_wait3A_657 = tpu.memref_slice %arg2[%dma_wait3A_655, %dma_wait3A_656] : memref<1000000x32xf32, #tpu.memory_space<hbm>> -> memref<1000000x32xf32, #tpu.memory_space<hbm>>
    tpu.wait_indirect_dma semaphore(%arg8 : memref<!tpu.dma_semaphore, #tpu.memory_space<semaphore_mem>>) src(%dma_wait3A_657 : memref<1000000x32xf32, #tpu.memory_space<hbm>>) dst(%arg6 : memref<128x32xf32, #tpu.memory_space<vmem>>)
    %dma_wait3A_658 = arith.constant 0 : i32
    %dma_wait3A_659 = arith.constant 0 : i32
    %dma_wait3A_660 = tpu.memref_slice %arg5[%dma_wait3A_658, %dma_wait3A_659] : memref<50x128xi32, #tpu.memory_space<vmem>> -> memref<1x128xi32, #tpu.memory_space<vmem>>
    %dma_wait3A_661 = tpu.memref_squeeze %dma_wait3A_660 : memref<1x128xi32, #tpu.memory_space<vmem>> -> memref<128xi32, #tpu.memory_space<vmem>>
    %dma_wait3A_662 = arith.constant 0 : i32
    %dma_wait3A_663 = arith.constant 0 : i32
    %dma_wait3A_664 = tpu.memref_slice %arg2[%dma_wait3A_662, %dma_wait3A_663] : memref<1000000x32xf32, #tpu.memory_space<hbm>> -> memref<1000000x32xf32, #tpu.memory_space<hbm>>
    tpu.wait_indirect_dma semaphore(%arg8 : memref<!tpu.dma_semaphore, #tpu.memory_space<semaphore_mem>>) src(%dma_wait3A_664 : memref<1000000x32xf32, #tpu.memory_space<hbm>>) dst(%arg6 : memref<128x32xf32, #tpu.memory_space<vmem>>)
    %dma_wait3A_665 = arith.constant 0 : i32
    %dma_wait3A_666 = arith.constant 0 : i32
    %dma_wait3A_667 = tpu.memref_slice %arg5[%dma_wait3A_665, %dma_wait3A_666] : memref<50x128xi32, #tpu.memory_space<vmem>> -> memref<1x128xi32, #tpu.memory_space<vmem>>
    %dma_wait3A_668 = tpu.memref_squeeze %dma_wait3A_667 : memref<1x128xi32, #tpu.memory_space<vmem>> -> memref<128xi32, #tpu.memory_space<vmem>>
    %dma_wait3A_669 = arith.constant 0 : i32
    %dma_wait3A_670 = arith.constant 0 : i32
    %dma_wait3A_671 = tpu.memref_slice %arg2[%dma_wait3A_669, %dma_wait3A_670] : memref<1000000x32xf32, #tpu.memory_space<hbm>> -> memref<1000000x32xf32, #tpu.memory_space<hbm>>
    tpu.wait_indirect_dma semaphore(%arg8 : memref<!tpu.dma_semaphore, #tpu.memory_space<semaphore_mem>>) src(%dma_wait3A_671 : memref<1000000x32xf32, #tpu.memory_space<hbm>>) dst(%arg6 : memref<128x32xf32, #tpu.memory_space<vmem>>)
    %dma_wait3A_672 = arith.constant 0 : i32
    %dma_wait3A_673 = arith.constant 0 : i32
    %dma_wait3A_674 = tpu.memref_slice %arg5[%dma_wait3A_672, %dma_wait3A_673] : memref<50x128xi32, #tpu.memory_space<vmem>> -> memref<1x128xi32, #tpu.memory_space<vmem>>
    %dma_wait3A_675 = tpu.memref_squeeze %dma_wait3A_674 : memref<1x128xi32, #tpu.memory_space<vmem>> -> memref<128xi32, #tpu.memory_space<vmem>>
    %dma_wait3A_676 = arith.constant 0 : i32
    %dma_wait3A_677 = arith.constant 0 : i32
    %dma_wait3A_678 = tpu.memref_slice %arg2[%dma_wait3A_676, %dma_wait3A_677] : memref<1000000x32xf32, #tpu.memory_space<hbm>> -> memref<1000000x32xf32, #tpu.memory_space<hbm>>
    tpu.wait_indirect_dma semaphore(%arg8 : memref<!tpu.dma_semaphore, #tpu.memory_space<semaphore_mem>>) src(%dma_wait3A_678 : memref<1000000x32xf32, #tpu.memory_space<hbm>>) dst(%arg6 : memref<128x32xf32, #tpu.memory_space<vmem>>)
    %dma_wait3A_679 = arith.constant 0 : i32
    %dma_wait3A_680 = arith.constant 0 : i32
    %dma_wait3A_681 = tpu.memref_slice %arg5[%dma_wait3A_679, %dma_wait3A_680] : memref<50x128xi32, #tpu.memory_space<vmem>> -> memref<1x128xi32, #tpu.memory_space<vmem>>
    %dma_wait3A_682 = tpu.memref_squeeze %dma_wait3A_681 : memref<1x128xi32, #tpu.memory_space<vmem>> -> memref<128xi32, #tpu.memory_space<vmem>>
    %dma_wait3A_683 = arith.constant 0 : i32
    %dma_wait3A_684 = arith.constant 0 : i32
    %dma_wait3A_685 = tpu.memref_slice %arg2[%dma_wait3A_683, %dma_wait3A_684] : memref<1000000x32xf32, #tpu.memory_space<hbm>> -> memref<1000000x32xf32, #tpu.memory_space<hbm>>
    tpu.wait_indirect_dma semaphore(%arg8 : memref<!tpu.dma_semaphore, #tpu.memory_space<semaphore_mem>>) src(%dma_wait3A_685 : memref<1000000x32xf32, #tpu.memory_space<hbm>>) dst(%arg6 : memref<128x32xf32, #tpu.memory_space<vmem>>)
    %dma_wait3A_686 = arith.constant 0 : i32
    %dma_wait3A_687 = arith.constant 0 : i32
    %dma_wait3A_688 = tpu.memref_slice %arg5[%dma_wait3A_686, %dma_wait3A_687] : memref<50x128xi32, #tpu.memory_space<vmem>> -> memref<1x128xi32, #tpu.memory_space<vmem>>
    %dma_wait3A_689 = tpu.memref_squeeze %dma_wait3A_688 : memref<1x128xi32, #tpu.memory_space<vmem>> -> memref<128xi32, #tpu.memory_space<vmem>>
    %dma_wait3A_690 = arith.constant 0 : i32
    %dma_wait3A_691 = arith.constant 0 : i32
    %dma_wait3A_692 = tpu.memref_slice %arg2[%dma_wait3A_690, %dma_wait3A_691] : memref<1000000x32xf32, #tpu.memory_space<hbm>> -> memref<1000000x32xf32, #tpu.memory_space<hbm>>
    tpu.wait_indirect_dma semaphore(%arg8 : memref<!tpu.dma_semaphore, #tpu.memory_space<semaphore_mem>>) src(%dma_wait3A_692 : memref<1000000x32xf32, #tpu.memory_space<hbm>>) dst(%arg6 : memref<128x32xf32, #tpu.memory_space<vmem>>)
    %dma_wait3A_693 = arith.constant 0 : i32
    %dma_wait3A_694 = arith.constant 0 : i32
    %dma_wait3A_695 = tpu.memref_slice %arg5[%dma_wait3A_693, %dma_wait3A_694] : memref<50x128xi32, #tpu.memory_space<vmem>> -> memref<1x128xi32, #tpu.memory_space<vmem>>
    %dma_wait3A_696 = tpu.memref_squeeze %dma_wait3A_695 : memref<1x128xi32, #tpu.memory_space<vmem>> -> memref<128xi32, #tpu.memory_space<vmem>>
    %dma_wait3A_697 = arith.constant 0 : i32
    %dma_wait3A_698 = arith.constant 0 : i32
    %dma_wait3A_699 = tpu.memref_slice %arg2[%dma_wait3A_697, %dma_wait3A_698] : memref<1000000x32xf32, #tpu.memory_space<hbm>> -> memref<1000000x32xf32, #tpu.memory_space<hbm>>
    tpu.wait_indirect_dma semaphore(%arg8 : memref<!tpu.dma_semaphore, #tpu.memory_space<semaphore_mem>>) src(%dma_wait3A_699 : memref<1000000x32xf32, #tpu.memory_space<hbm>>) dst(%arg6 : memref<128x32xf32, #tpu.memory_space<vmem>>)
    %dma_wait3A_700 = arith.constant 0 : i32
    %dma_wait3A_701 = arith.constant 0 : i32
    %dma_wait3A_702 = tpu.memref_slice %arg5[%dma_wait3A_700, %dma_wait3A_701] : memref<50x128xi32, #tpu.memory_space<vmem>> -> memref<1x128xi32, #tpu.memory_space<vmem>>
    %dma_wait3A_703 = tpu.memref_squeeze %dma_wait3A_702 : memref<1x128xi32, #tpu.memory_space<vmem>> -> memref<128xi32, #tpu.memory_space<vmem>>
    %dma_wait3A_704 = arith.constant 0 : i32
    %dma_wait3A_705 = arith.constant 0 : i32
    %dma_wait3A_706 = tpu.memref_slice %arg2[%dma_wait3A_704, %dma_wait3A_705] : memref<1000000x32xf32, #tpu.memory_space<hbm>> -> memref<1000000x32xf32, #tpu.memory_space<hbm>>
    tpu.wait_indirect_dma semaphore(%arg8 : memref<!tpu.dma_semaphore, #tpu.memory_space<semaphore_mem>>) src(%dma_wait3A_706 : memref<1000000x32xf32, #tpu.memory_space<hbm>>) dst(%arg6 : memref<128x32xf32, #tpu.memory_space<vmem>>)
    %scan3A_707 = arith.constant 0 : i32
    %scan3A_708 = arith.constant 2.000000e-02 : f32
    %scan3A_709 = arith.constant 0 : i32
    %scan3A_710 = arith.constant 128 : i32
    %scan3A_711 = arith.addi %scan3A_709, %scan3A_710 : i32
    %scan3A_712 = arith.constant 8 : i32
    scf.for %scan3A_714 = %scan3A_709 to %scan3A_711 step %scan3A_712  : i32 {
      %get3A = arith.index_cast %scan3A_714 : i32 to index
      %get3A_715 = arith.constant 0 : index
      %get3A_716 = tpu.vector_load %arg6[%get3A, %get3A_715] {strides = array<i32>} : memref<128x32xf32, #tpu.memory_space<vmem>>, vector<1x16xf32>,
      %get3A_717 = vector.shape_cast %get3A_716 : vector<1x16xf32> to vector<16xf32>
      %mul3A_718 = vector.broadcast %scan3A_708 : f32 to vector<16xf32>
      %mul3A_719 = arith.mulf %get3A_717, %mul3A_718 : vector<16xf32>
      %swap3A = arith.index_cast %scan3A_714 : i32 to index
      %swap3A_720 = arith.constant 0 : index
      %swap3A_721 = tpu.vector_load %arg7[%swap3A, %swap3A_720] {strides = array<i32>} : memref<128x32xf32, #tpu.memory_space<vmem>>, vector<1x16xf32>,
      %swap3A_722 = vector.shape_cast %swap3A_721 : vector<1x16xf32> to vector<16xf32>
      %swap3A_723 = vector.shape_cast %mul3A_719 : vector<16xf32> to vector<1x16xf32>
      tpu.vector_store %arg7[%swap3A, %swap3A_720], %swap3A_723 {strides = array<i32>} : memref<128x32xf32, #tpu.memory_space<vmem>>, vector<1x16xf32>,
      %get3A_724 = arith.index_cast %scan3A_714 : i32 to index
      %get3A_725 = arith.constant 16 : index
      %get3A_726 = tpu.vector_load %arg6[%get3A_724, %get3A_725] {strides = array<i32>} : memref<128x32xf32, #tpu.memory_space<vmem>>, vector<1x16xf32>,
      %get3A_727 = vector.shape_cast %get3A_726 : vector<1x16xf32> to vector<16xf32>
      %mul3A_728 = vector.broadcast %scan3A_708 : f32 to vector<16xf32>
      %mul3A_729 = arith.mulf %get3A_727, %mul3A_728 : vector<16xf32>
      %swap3A_730 = arith.index_cast %scan3A_714 : i32 to index
      %swap3A_731 = arith.constant 16 : index
      %swap3A_732 = tpu.vector_load %arg7[%swap3A_730, %swap3A_731] {strides = array<i32>} : memref<128x32xf32, #tpu.memory_space<vmem>>, vector<1x16xf32>,
      %swap3A_733 = vector.shape_cast %swap3A_732 : vector<1x16xf32> to vector<16xf32>
      %swap3A_734 = vector.shape_cast %mul3A_729 : vector<16xf32> to vector<1x16xf32>
      tpu.vector_store %arg7[%swap3A_730, %swap3A_731], %swap3A_734 {strides = array<i32>} : memref<128x32xf32, #tpu.memory_space<vmem>>, vector<1x16xf32>,
      %scan3A_735 = arith.constant 1 : i32
      %scan3A_736 = arith.addi %scan3A_714, %scan3A_735 : i32
      %get3A_737 = arith.index_cast %scan3A_736 : i32 to index
      %get3A_738 = arith.constant 0 : index
      %get3A_739 = tpu.vector_load %arg6[%get3A_737, %get3A_738] {strides = array<i32>} : memref<128x32xf32, #tpu.memory_space<vmem>>, vector<1x16xf32>,
      %get3A_740 = vector.shape_cast %get3A_739 : vector<1x16xf32> to vector<16xf32>
      %mul3A_741 = vector.broadcast %scan3A_708 : f32 to vector<16xf32>
      %mul3A_742 = arith.mulf %get3A_740, %mul3A_741 : vector<16xf32>
      %swap3A_743 = arith.index_cast %scan3A_736 : i32 to index
      %swap3A_744 = arith.constant 0 : index
      %swap3A_745 = tpu.vector_load %arg7[%swap3A_743, %swap3A_744] {strides = array<i32>} : memref<128x32xf32, #tpu.memory_space<vmem>>, vector<1x16xf32>,
      %swap3A_746 = vector.shape_cast %swap3A_745 : vector<1x16xf32> to vector<16xf32>
      %swap3A_747 = vector.shape_cast %mul3A_742 : vector<16xf32> to vector<1x16xf32>
      tpu.vector_store %arg7[%swap3A_743, %swap3A_744], %swap3A_747 {strides = array<i32>} : memref<128x32xf32, #tpu.memory_space<vmem>>, vector<1x16xf32>,
      %get3A_748 = arith.index_cast %scan3A_736 : i32 to index
      %get3A_749 = arith.constant 16 : index
      %get3A_750 = tpu.vector_load %arg6[%get3A_748, %get3A_749] {strides = array<i32>} : memref<128x32xf32, #tpu.memory_space<vmem>>, vector<1x16xf32>,
      %get3A_751 = vector.shape_cast %get3A_750 : vector<1x16xf32> to vector<16xf32>
      %mul3A_752 = vector.broadcast %scan3A_708 : f32 to vector<16xf32>
      %mul3A_753 = arith.mulf %get3A_751, %mul3A_752 : vector<16xf32>
      %swap3A_754 = arith.index_cast %scan3A_736 : i32 to index
      %swap3A_755 = arith.constant 16 : index
      %swap3A_756 = tpu.vector_load %arg7[%swap3A_754, %swap3A_755] {strides = array<i32>} : memref<128x32xf32, #tpu.memory_space<vmem>>, vector<1x16xf32>,
      %swap3A_757 = vector.shape_cast %swap3A_756 : vector<1x16xf32> to vector<16xf32>
      %swap3A_758 = vector.shape_cast %mul3A_753 : vector<16xf32> to vector<1x16xf32>
      tpu.vector_store %arg7[%swap3A_754, %swap3A_755], %swap3A_758 {strides = array<i32>} : memref<128x32xf32, #tpu.memory_space<vmem>>, vector<1x16xf32>,
      %scan3A_759 = arith.constant 2 : i32
      %scan3A_760 = arith.addi %scan3A_714, %scan3A_759 : i32
      %get3A_761 = arith.index_cast %scan3A_760 : i32 to index
      %get3A_762 = arith.constant 0 : index
      %get3A_763 = tpu.vector_load %arg6[%get3A_761, %get3A_762] {strides = array<i32>} : memref<128x32xf32, #tpu.memory_space<vmem>>, vector<1x16xf32>,
      %get3A_764 = vector.shape_cast %get3A_763 : vector<1x16xf32> to vector<16xf32>
      %mul3A_765 = vector.broadcast %scan3A_708 : f32 to vector<16xf32>
      %mul3A_766 = arith.mulf %get3A_764, %mul3A_765 : vector<16xf32>
      %swap3A_767 = arith.index_cast %scan3A_760 : i32 to index
      %swap3A_768 = arith.constant 0 : index
      %swap3A_769 = tpu.vector_load %arg7[%swap3A_767, %swap3A_768] {strides = array<i32>} : memref<128x32xf32, #tpu.memory_space<vmem>>, vector<1x16xf32>,
      %swap3A_770 = vector.shape_cast %swap3A_769 : vector<1x16xf32> to vector<16xf32>
      %swap3A_771 = vector.shape_cast %mul3A_766 : vector<16xf32> to vector<1x16xf32>
      tpu.vector_store %arg7[%swap3A_767, %swap3A_768], %swap3A_771 {strides = array<i32>} : memref<128x32xf32, #tpu.memory_space<vmem>>, vector<1x16xf32>,
      %get3A_772 = arith.index_cast %scan3A_760 : i32 to index
      %get3A_773 = arith.constant 16 : index
      %get3A_774 = tpu.vector_load %arg6[%get3A_772, %get3A_773] {strides = array<i32>} : memref<128x32xf32, #tpu.memory_space<vmem>>, vector<1x16xf32>,
      %get3A_775 = vector.shape_cast %get3A_774 : vector<1x16xf32> to vector<16xf32>
      %mul3A_776 = vector.broadcast %scan3A_708 : f32 to vector<16xf32>
      %mul3A_777 = arith.mulf %get3A_775, %mul3A_776 : vector<16xf32>
      %swap3A_778 = arith.index_cast %scan3A_760 : i32 to index
      %swap3A_779 = arith.constant 16 : index
      %swap3A_780 = tpu.vector_load %arg7[%swap3A_778, %swap3A_779] {strides = array<i32>} : memref<128x32xf32, #tpu.memory_space<vmem>>, vector<1x16xf32>,
      %swap3A_781 = vector.shape_cast %swap3A_780 : vector<1x16xf32> to vector<16xf32>
      %swap3A_782 = vector.shape_cast %mul3A_777 : vector<16xf32> to vector<1x16xf32>
      tpu.vector_store %arg7[%swap3A_778, %swap3A_779], %swap3A_782 {strides = array<i32>} : memref<128x32xf32, #tpu.memory_space<vmem>>, vector<1x16xf32>,
      %scan3A_783 = arith.constant 3 : i32
      %scan3A_784 = arith.addi %scan3A_714, %scan3A_783 : i32
      %get3A_785 = arith.index_cast %scan3A_784 : i32 to index
      %get3A_786 = arith.constant 0 : index
      %get3A_787 = tpu.vector_load %arg6[%get3A_785, %get3A_786] {strides = array<i32>} : memref<128x32xf32, #tpu.memory_space<vmem>>, vector<1x16xf32>,
      %get3A_788 = vector.shape_cast %get3A_787 : vector<1x16xf32> to vector<16xf32>
      %mul3A_789 = vector.broadcast %scan3A_708 : f32 to vector<16xf32>
      %mul3A_790 = arith.mulf %get3A_788, %mul3A_789 : vector<16xf32>
      %swap3A_791 = arith.index_cast %scan3A_784 : i32 to index
      %swap3A_792 = arith.constant 0 : index
      %swap3A_793 = tpu.vector_load %arg7[%swap3A_791, %swap3A_792] {strides = array<i32>} : memref<128x32xf32, #tpu.memory_space<vmem>>, vector<1x16xf32>,
      %swap3A_794 = vector.shape_cast %swap3A_793 : vector<1x16xf32> to vector<16xf32>
      %swap3A_795 = vector.shape_cast %mul3A_790 : vector<16xf32> to vector<1x16xf32>
      tpu.vector_store %arg7[%swap3A_791, %swap3A_792], %swap3A_795 {strides = array<i32>} : memref<128x32xf32, #tpu.memory_space<vmem>>, vector<1x16xf32>,
      %get3A_796 = arith.index_cast %scan3A_784 : i32 to index
      %get3A_797 = arith.constant 16 : index
      %get3A_798 = tpu.vector_load %arg6[%get3A_796, %get3A_797] {strides = array<i32>} : memref<128x32xf32, #tpu.memory_space<vmem>>, vector<1x16xf32>,
      %get3A_799 = vector.shape_cast %get3A_798 : vector<1x16xf32> to vector<16xf32>
      %mul3A_800 = vector.broadcast %scan3A_708 : f32 to vector<16xf32>
      %mul3A_801 = arith.mulf %get3A_799, %mul3A_800 : vector<16xf32>
      %swap3A_802 = arith.index_cast %scan3A_784 : i32 to index
      %swap3A_803 = arith.constant 16 : index
      %swap3A_804 = tpu.vector_load %arg7[%swap3A_802, %swap3A_803] {strides = array<i32>} : memref<128x32xf32, #tpu.memory_space<vmem>>, vector<1x16xf32>,
      %swap3A_805 = vector.shape_cast %swap3A_804 : vector<1x16xf32> to vector<16xf32>
      %swap3A_806 = vector.shape_cast %mul3A_801 : vector<16xf32> to vector<1x16xf32>
      tpu.vector_store %arg7[%swap3A_802, %swap3A_803], %swap3A_806 {strides = array<i32>} : memref<128x32xf32, #tpu.memory_space<vmem>>, vector<1x16xf32>,
      %scan3A_807 = arith.constant 4 : i32
      %scan3A_808 = arith.addi %scan3A_714, %scan3A_807 : i32
      %get3A_809 = arith.index_cast %scan3A_808 : i32 to index
      %get3A_810 = arith.constant 0 : index
      %get3A_811 = tpu.vector_load %arg6[%get3A_809, %get3A_810] {strides = array<i32>} : memref<128x32xf32, #tpu.memory_space<vmem>>, vector<1x16xf32>,
      %get3A_812 = vector.shape_cast %get3A_811 : vector<1x16xf32> to vector<16xf32>
      %mul3A_813 = vector.broadcast %scan3A_708 : f32 to vector<16xf32>
      %mul3A_814 = arith.mulf %get3A_812, %mul3A_813 : vector<16xf32>
      %swap3A_815 = arith.index_cast %scan3A_808 : i32 to index
      %swap3A_816 = arith.constant 0 : index
      %swap3A_817 = tpu.vector_load %arg7[%swap3A_815, %swap3A_816] {strides = array<i32>} : memref<128x32xf32, #tpu.memory_space<vmem>>, vector<1x16xf32>,
      %swap3A_818 = vector.shape_cast %swap3A_817 : vector<1x16xf32> to vector<16xf32>
      %swap3A_819 = vector.shape_cast %mul3A_814 : vector<16xf32> to vector<1x16xf32>
      tpu.vector_store %arg7[%swap3A_815, %swap3A_816], %swap3A_819 {strides = array<i32>} : memref<128x32xf32, #tpu.memory_space<vmem>>, vector<1x16xf32>,
      %get3A_820 = arith.index_cast %scan3A_808 : i32 to index
      %get3A_821 = arith.constant 16 : index
      %get3A_822 = tpu.vector_load %arg6[%get3A_820, %get3A_821] {strides = array<i32>} : memref<128x32xf32, #tpu.memory_space<vmem>>, vector<1x16xf32>,
      %get3A_823 = vector.shape_cast %get3A_822 : vector<1x16xf32> to vector<16xf32>
      %mul3A_824 = vector.broadcast %scan3A_708 : f32 to vector<16xf32>
      %mul3A_825 = arith.mulf %get3A_823, %mul3A_824 : vector<16xf32>
      %swap3A_826 = arith.index_cast %scan3A_808 : i32 to index
      %swap3A_827 = arith.constant 16 : index
      %swap3A_828 = tpu.vector_load %arg7[%swap3A_826, %swap3A_827] {strides = array<i32>} : memref<128x32xf32, #tpu.memory_space<vmem>>, vector<1x16xf32>,
      %swap3A_829 = vector.shape_cast %swap3A_828 : vector<1x16xf32> to vector<16xf32>
      %swap3A_830 = vector.shape_cast %mul3A_825 : vector<16xf32> to vector<1x16xf32>
      tpu.vector_store %arg7[%swap3A_826, %swap3A_827], %swap3A_830 {strides = array<i32>} : memref<128x32xf32, #tpu.memory_space<vmem>>, vector<1x16xf32>,
      %scan3A_831 = arith.constant 5 : i32
      %scan3A_832 = arith.addi %scan3A_714, %scan3A_831 : i32
      %get3A_833 = arith.index_cast %scan3A_832 : i32 to index
      %get3A_834 = arith.constant 0 : index
      %get3A_835 = tpu.vector_load %arg6[%get3A_833, %get3A_834] {strides = array<i32>} : memref<128x32xf32, #tpu.memory_space<vmem>>, vector<1x16xf32>,
      %get3A_836 = vector.shape_cast %get3A_835 : vector<1x16xf32> to vector<16xf32>
      %mul3A_837 = vector.broadcast %scan3A_708 : f32 to vector<16xf32>
      %mul3A_838 = arith.mulf %get3A_836, %mul3A_837 : vector<16xf32>
      %swap3A_839 = arith.index_cast %scan3A_832 : i32 to index
      %swap3A_840 = arith.constant 0 : index
      %swap3A_841 = tpu.vector_load %arg7[%swap3A_839, %swap3A_840] {strides = array<i32>} : memref<128x32xf32, #tpu.memory_space<vmem>>, vector<1x16xf32>,
      %swap3A_842 = vector.shape_cast %swap3A_841 : vector<1x16xf32> to vector<16xf32>
      %swap3A_843 = vector.shape_cast %mul3A_838 : vector<16xf32> to vector<1x16xf32>
      tpu.vector_store %arg7[%swap3A_839, %swap3A_840], %swap3A_843 {strides = array<i32>} : memref<128x32xf32, #tpu.memory_space<vmem>>, vector<1x16xf32>,
      %get3A_844 = arith.index_cast %scan3A_832 : i32 to index
      %get3A_845 = arith.constant 16 : index
      %get3A_846 = tpu.vector_load %arg6[%get3A_844, %get3A_845] {strides = array<i32>} : memref<128x32xf32, #tpu.memory_space<vmem>>, vector<1x16xf32>,
      %get3A_847 = vector.shape_cast %get3A_846 : vector<1x16xf32> to vector<16xf32>
      %mul3A_848 = vector.broadcast %scan3A_708 : f32 to vector<16xf32>
      %mul3A_849 = arith.mulf %get3A_847, %mul3A_848 : vector<16xf32>
      %swap3A_850 = arith.index_cast %scan3A_832 : i32 to index
      %swap3A_851 = arith.constant 16 : index
      %swap3A_852 = tpu.vector_load %arg7[%swap3A_850, %swap3A_851] {strides = array<i32>} : memref<128x32xf32, #tpu.memory_space<vmem>>, vector<1x16xf32>,
      %swap3A_853 = vector.shape_cast %swap3A_852 : vector<1x16xf32> to vector<16xf32>
      %swap3A_854 = vector.shape_cast %mul3A_849 : vector<16xf32> to vector<1x16xf32>
      tpu.vector_store %arg7[%swap3A_850, %swap3A_851], %swap3A_854 {strides = array<i32>} : memref<128x32xf32, #tpu.memory_space<vmem>>, vector<1x16xf32>,
      %scan3A_855 = arith.constant 6 : i32
      %scan3A_856 = arith.addi %scan3A_714, %scan3A_855 : i32
      %get3A_857 = arith.index_cast %scan3A_856 : i32 to index
      %get3A_858 = arith.constant 0 : index
      %get3A_859 = tpu.vector_load %arg6[%get3A_857, %get3A_858] {strides = array<i32>} : memref<128x32xf32, #tpu.memory_space<vmem>>, vector<1x16xf32>,
      %get3A_860 = vector.shape_cast %get3A_859 : vector<1x16xf32> to vector<16xf32>
      %mul3A_861 = vector.broadcast %scan3A_708 : f32 to vector<16xf32>
      %mul3A_862 = arith.mulf %get3A_860, %mul3A_861 : vector<16xf32>
      %swap3A_863 = arith.index_cast %scan3A_856 : i32 to index
      %swap3A_864 = arith.constant 0 : index
      %swap3A_865 = tpu.vector_load %arg7[%swap3A_863, %swap3A_864] {strides = array<i32>} : memref<128x32xf32, #tpu.memory_space<vmem>>, vector<1x16xf32>,
      %swap3A_866 = vector.shape_cast %swap3A_865 : vector<1x16xf32> to vector<16xf32>
      %swap3A_867 = vector.shape_cast %mul3A_862 : vector<16xf32> to vector<1x16xf32>
      tpu.vector_store %arg7[%swap3A_863, %swap3A_864], %swap3A_867 {strides = array<i32>} : memref<128x32xf32, #tpu.memory_space<vmem>>, vector<1x16xf32>,
      %get3A_868 = arith.index_cast %scan3A_856 : i32 to index
      %get3A_869 = arith.constant 16 : index
      %get3A_870 = tpu.vector_load %arg6[%get3A_868, %get3A_869] {strides = array<i32>} : memref<128x32xf32, #tpu.memory_space<vmem>>, vector<1x16xf32>,
      %get3A_871 = vector.shape_cast %get3A_870 : vector<1x16xf32> to vector<16xf32>
      %mul3A_872 = vector.broadcast %scan3A_708 : f32 to vector<16xf32>
      %mul3A_873 = arith.mulf %get3A_871, %mul3A_872 : vector<16xf32>
      %swap3A_874 = arith.index_cast %scan3A_856 : i32 to index
      %swap3A_875 = arith.constant 16 : index
      %swap3A_876 = tpu.vector_load %arg7[%swap3A_874, %swap3A_875] {strides = array<i32>} : memref<128x32xf32, #tpu.memory_space<vmem>>, vector<1x16xf32>,
      %swap3A_877 = vector.shape_cast %swap3A_876 : vector<1x16xf32> to vector<16xf32>
      %swap3A_878 = vector.shape_cast %mul3A_873 : vector<16xf32> to vector<1x16xf32>
      tpu.vector_store %arg7[%swap3A_874, %swap3A_875], %swap3A_878 {strides = array<i32>} : memref<128x32xf32, #tpu.memory_space<vmem>>, vector<1x16xf32>,
      %scan3A_879 = arith.constant 7 : i32
      %scan3A_880 = arith.addi %scan3A_714, %scan3A_879 : i32
      %get3A_881 = arith.index_cast %scan3A_880 : i32 to index
      %get3A_882 = arith.constant 0 : index
      %get3A_883 = tpu.vector_load %arg6[%get3A_881, %get3A_882] {strides = array<i32>} : memref<128x32xf32, #tpu.memory_space<vmem>>, vector<1x16xf32>,
      %get3A_884 = vector.shape_cast %get3A_883 : vector<1x16xf32> to vector<16xf32>
      %mul3A_885 = vector.broadcast %scan3A_708 : f32 to vector<16xf32>
      %mul3A_886 = arith.mulf %get3A_884, %mul3A_885 : vector<16xf32>
      %swap3A_887 = arith.index_cast %scan3A_880 : i32 to index
      %swap3A_888 = arith.constant 0 : index
      %swap3A_889 = tpu.vector_load %arg7[%swap3A_887, %swap3A_888] {strides = array<i32>} : memref<128x32xf32, #tpu.memory_space<vmem>>, vector<1x16xf32>,
      %swap3A_890 = vector.shape_cast %swap3A_889 : vector<1x16xf32> to vector<16xf32>
      %swap3A_891 = vector.shape_cast %mul3A_886 : vector<16xf32> to vector<1x16xf32>
      tpu.vector_store %arg7[%swap3A_887, %swap3A_888], %swap3A_891 {strides = array<i32>} : memref<128x32xf32, #tpu.memory_space<vmem>>, vector<1x16xf32>,
      %get3A_892 = arith.index_cast %scan3A_880 : i32 to index
      %get3A_893 = arith.constant 16 : index
      %get3A_894 = tpu.vector_load %arg6[%get3A_892, %get3A_893] {strides = array<i32>} : memref<128x32xf32, #tpu.memory_space<vmem>>, vector<1x16xf32>,
      %get3A_895 = vector.shape_cast %get3A_894 : vector<1x16xf32> to vector<16xf32>
      %mul3A_896 = vector.broadcast %scan3A_708 : f32 to vector<16xf32>
      %mul3A_897 = arith.mulf %get3A_895, %mul3A_896 : vector<16xf32>
      %swap3A_898 = arith.index_cast %scan3A_880 : i32 to index
      %swap3A_899 = arith.constant 16 : index
      %swap3A_900 = tpu.vector_load %arg7[%swap3A_898, %swap3A_899] {strides = array<i32>} : memref<128x32xf32, #tpu.memory_space<vmem>>, vector<1x16xf32>,
      %swap3A_901 = vector.shape_cast %swap3A_900 : vector<1x16xf32> to vector<16xf32>
      %swap3A_902 = vector.shape_cast %mul3A_897 : vector<16xf32> to vector<1x16xf32>
      tpu.vector_store %arg7[%swap3A_898, %swap3A_899], %swap3A_902 {strides = array<i32>} : memref<128x32xf32, #tpu.memory_space<vmem>>, vector<1x16xf32>,
    }
    %scan3A_713 = arith.constant 128 : i32
    "tpu.region"() ({
      %run_scoped3A = tpu.sem_alloc : memref<!tpu.dma_semaphore, #tpu.memory_space<semaphore_mem>>
      %dma_start3A_714 = arith.constant 0 : i32
      %dma_start3A_715 = tpu.memref_slice %arg4[%mul3A_2, %dma_start3A_714] : memref<4096x32xf32, #tpu.memory_space<hbm>> -> memref<128x32xf32, #tpu.memory_space<hbm>>
      %dma_start3A_716 = arith.constant 0 : i32
      %dma_start3A_717 = tpu.memref_slice %arg4[%mul3A_2, %dma_start3A_716] : memref<4096x32xf32, #tpu.memory_space<hbm>> -> memref<128x32xf32, #tpu.memory_space<hbm>>
      tpu.enqueue_dma source(%arg7 : memref<128x32xf32, #tpu.memory_space<vmem>>) target(%dma_start3A_717 : memref<128x32xf32, #tpu.memory_space<hbm>>) target_semaphore(%run_scoped3A : memref<!tpu.dma_semaphore, #tpu.memory_space<semaphore_mem>>)
      %dma_wait3A_718 = arith.constant 0 : i32
      %dma_wait3A_719 = tpu.memref_slice %arg4[%mul3A_2, %dma_wait3A_718] : memref<4096x32xf32, #tpu.memory_space<hbm>> -> memref<128x32xf32, #tpu.memory_space<hbm>>
      %dma_wait3A_720 = arith.constant 0 : i32
      %dma_wait3A_721 = tpu.memref_slice %arg4[%mul3A_2, %dma_wait3A_720] : memref<4096x32xf32, #tpu.memory_space<hbm>> -> memref<128x32xf32, #tpu.memory_space<hbm>>
      tpu.wait_dma2 semaphore(%run_scoped3A : memref<!tpu.dma_semaphore, #tpu.memory_space<semaphore_mem>>) src(%arg7 : memref<128x32xf32, #tpu.memory_space<vmem>>) dst(%dma_wait3A_721 : memref<128x32xf32, #tpu.memory_space<hbm>>)
      tpu.yield
    }) : () -> ()
    return
  }
}

</mosaic_0001>

<sc_bundles>
// kernel: _graph_encode.3.cloned.1.call-start
scs
__scs_entry_jumppad:
0x0: {  	(pc) =	sbr.rel $0x88, $3  }
0x1: {  	(tag) =	ssettag $0x0;
	lr =	simm.s32 $0x1  }
0x2: {  	[smem:$0x3F9F] =	sst lr;
	_ =	strace $0xD0000000  }
0x3: {  	_ = 	snop  }
0x4: {  	_ = 	snop  }
0x5: {  	_ = 	snop  }
0x6: {  	_ = 	snop  }
0x7: {  	_ = 	snop  }
__scs_overlays_trampoline_lowered:
0x8: {  	[smem:$0x3FAE] =	sst s0  }
0x9: {  	[smem:$0x3FAF] =	sst s1  }
0xa: {  	[smem:$0x3FB0] =	sst s2  }
0xb: {  	[smem:$0x3FB1] =	sst s3  }
0xc: {  	[smem:$0x3FB2] =	sst s4  }
0xd: {  	[smem:$0x3FB3] =	sst s5  }
0xe: {  	[smem:$0x3FB4] =	sst s6  }
0xf: {  	[smem:$0x3FB5] =	sst s7  }
0x10: {  	[smem:$0x3FB6] =	sst s8  }
0x11: {  	[smem:$0x3FB7] =	sst s9;
	s0 =	simm.s32 @!p0 $0x0  }
0x12: {  	s1 =	sld [smem:$0x3F9D];
	s0 =	simm.s32 @p0 $0x1  }
0x13: {  	[smem:$0x3FB8] =	sst s0;
	s0 =	simm.s32 @!p1 $0x0  }
0x14: {  	s2 =	sld [smem:$0x3F9C];
	s0 =	simm.s32 @p1 $0x1  }
0x15: {  	[smem:$0x3FB9] =	sst s0;
	s0 =	simm.s32 @!p2 $0x0  }
0x16: {  	s3 =	sld [smem:$0x3FDB];
	s0 =	simm.s32 @p2 $0x1  }
0x17: {  	s4 =	simm.s32 $0x1BF5;
	[smem:$0x3FBB] =	sst s0  }
0x18: {  	s0 =	sld [smem:$0x3F9E];
	_ =	swait.ge [sflag:s4], $0x0  }
0x19: {  	s7 =	sld [smem:$0x3F9F]  }
0x1a: {  	s8 =	sadd.s32 $0xFFFFE003, lr  }
0x1b: {  	s9 =	sadd.s32 $0xFFFFFEF7, lr;
	s5 =	simm.s32 $0xFFFFFFFF;
	p2 =	slt.u32 s8, $0xFFFFF086  }
0x1c: {  	p1 =	slt.u32 s9, $0xF7A;
	s5 =	simm.s32 @!p2 $0x0  }
0x1d: {  	s5 =	simm.s32 @p1 $0x1;
	p0 =	seq.s32 s7, s2  }
0x1e: {  	s7 =	smul.u32 @!p0 $0xF7A, s2;
	p2 =	seq.s32 @!p0 s5, $0x0  }
0x1f: {  	s9 =	smul.u32 $0xF7A, s1;
	s8 =	simm.s32 @!p0 $0x1BF5;
	p2 =	por !p2, p0  }
0x20: {  	[sflag:s8] =	ssyncset.s32 @!p0 $0xFFFFF086;
	s6 =	sadd.s32 @!p0 s3, s7;
	s7 =	simm.s32 @!p0 $0x108  }
0x21: {  	s3 =	sadd.s32 s3, s9;
	s6 =	sadd.s32 @!p0 $0x88, s6;
	s7 =	simm.s32 @p2 $0x1082  }
0x22: {  	[simem:s7], [sflag:s8] =	dma.local @!p0 [hbm:s6], $0xF7A  }
0x23: {  	s9 =	sor.u32 $0xD0000000, s2;
	s6 =	simm.s32 $0x108;
	_ =	swait.ge @!p0 [sflag:s8], $0x0  }
0x24: {  	s3 =	sadd.s32 $0x88, s3;
	s6 =	simm.s32 @!p1 $0x1082;
	[sflag:s4] =	ssyncset.s32 $0xFFFFF086  }
0x25: {  	[simem:s6], [sflag:s4] =	dma.local [hbm:s3], $0xF7A  }
0x26: {  	[smem:$0x3F9F] =	sst s1;
	(tag) =	ssettag s2;
	_ =	strace s9  }
0x27: {  	s1 =	sld [smem:$0x3FAF]  }
0x28: {  	s2 =	sld [smem:$0x3FB0]  }
0x29: {  	s4 =	sld [smem:$0x3FB2]  }
0x2a: {  	p0 =	seq.s32 s5, $0x0;
	s5 =	sld [smem:$0x3FB3]  }
0x2b: {  	s6 =	sld [smem:$0x3FB4]  }
0x2c: {  	s7 =	sld [smem:$0x3FB5]  }
0x2d: {  	s3 =	simm.s32 $0x108;
	s8 =	sld [smem:$0x3FB6]  }
0x2e: {  	s3 =	simm.s32 @!p0 $0x1082;
	s9 =	sld [smem:$0x3FB7]  }
0x2f: {  	lr =	sadd.s32 s0, s3;
	s0 =	sld [smem:$0x3FAE]  }
0x30: {  	s3 =	sld [smem:$0x3FB1]  }
0x31: {  	[smem:$0x3FBA] =	sst s10  }
0x32: {  	s10 =	sld [smem:$0x3FB8];
	_ =	sdelay $0x3  }
0x33: {  	p0 =	seq.s32 s10, $0x1;
	s10 =	sld [smem:$0x3FBA];
	_ =	sdelay $0x3  }
0x34: {  	[smem:$0x3FBA] =	sst s10  }
0x35: {  	s10 =	sld [smem:$0x3FB9];
	_ =	sdelay $0x3  }
0x36: {  	p1 =	seq.s32 s10, $0x1;
	s10 =	sld [smem:$0x3FBA];
	_ =	sdelay $0x3  }
0x37: {  	[smem:$0x3FBA] =	sst s10  }
0x38: {  	s10 =	sld [smem:$0x3FBB]  }
0x39: {  	_ = 	snop;
	(pc) =	sbr.ind lr, $3  }
0x3a: {  	_ = 	snop  }
0x3b: {  	_ = 	snop  }
0x3c: {  	p2 =	seq.s32 s10, $0x1;
	s10 =	sld [smem:$0x3FBA]  }
0x3d: {  	_ =	shalt  }
0x3e: {  	_ =	shalt  }
0x3f: {  	_ =	shalt  }
0x40: {  	_ =	shalt  }
0x41: {  	_ =	shalt  }
0x42: {  	_ =	shalt  }
0x43: {  	_ =	shalt  }
0x44: {  	_ =	shalt  }
0x45: {  	_ =	shalt  }
0x46: {  	_ =	shalt  }
0x47: {  	_ =	shalt  }
0x48: {  	_ =	shalt  }
0x49: {  	_ =	shalt  }
0x4a: {  	_ =	shalt  }
0x4b: {  	_ =	shalt  }
0x4c: {  	_ =	shalt  }
0x4d: {  	_ =	shalt  }
0x4e: {  	_ =	shalt  }
0x4f: {  	_ =	shalt  }
0x50: {  	_ =	shalt  }
0x51: {  	_ =	shalt  }
0x52: {  	_ =	shalt  }
0x53: {  	_ =	shalt  }
0x54: {  	_ =	shalt  }
0x55: {  	_ =	shalt  }
0x56: {  	_ =	shalt  }
0x57: {  	_ =	shalt  }
0x58: {  	_ =	shalt  }
0x59: {  	_ =	shalt  }
0x5a: {  	_ =	shalt  }
0x5b: {  	_ =	shalt  }
0x5c: {  	_ =	shalt  }
0x5d: {  	_ =	shalt  }
0x5e: {  	_ =	shalt  }
0x5f: {  	_ =	shalt  }
0x60: {  	_ =	shalt  }
0x61: {  	_ =	shalt  }
0x62: {  	_ =	shalt  }
0x63: {  	_ =	shalt  }
0x64: {  	_ =	shalt  }
0x65: {  	_ =	shalt  }
0x66: {  	_ =	shalt  }
0x67: {  	_ =	shalt  }
0x68: {  	_ =	shalt  }
0x69: {  	_ =	shalt  }
0x6a: {  	_ =	shalt  }
0x6b: {  	_ =	shalt  }
0x6c: {  	_ =	shalt  }
0x6d: {  	_ =	shalt  }
0x6e: {  	_ =	shalt  }
0x6f: {  	_ =	shalt  }
0x70: {  	_ =	shalt  }
0x71: {  	_ =	shalt  }
0x72: {  	_ =	shalt  }
0x73: {  	_ =	shalt  }
0x74: {  	_ =	shalt  }
0x75: {  	_ =	shalt  }
0x76: {  	_ =	shalt  }
0x77: {  	_ =	shalt  }
0x78: {  	_ =	shalt  }
0x79: {  	_ =	shalt  }
0x7a: {  	_ =	shalt  }
0x7b: {  	_ =	shalt  }
0x7c: {  	_ =	shalt  }
0x7d: {  	_ =	shalt  }
0x7e: {  	_ =	shalt  }
0x7f: {  	_ =	shalt  }
0x80: {  	_ =	shalt  }
0x81: {  	_ =	shalt  }
0x82: {  	_ =	shalt  }
0x83: {  	_ =	shalt  }
0x84: {  	_ =	shalt  }
0x85: {  	_ =	shalt  }
0x86: {  	_ =	shalt  }
0x87: {  	_ =	shalt  }
.Lfunc_end0:
.L_simem_size_0:
called_computation_lowered:
.L_overlay_start_0:
0x88: {  	s2 =	sld [smem:$0x3FD9]  }
0x89: {  	s3 =	sld [smem:$0x3FFE];
	_ =	sdelay $0x1  }
0x8a: {  	s1 =	srdreg.scid  }
0x8b: {  	s0 =	sand.u32 $0x1, s1  }
0x8c: {  	s17 =	sshll.u32 s0, $0xA;
	s2 =	sadd.s32 s3, s2  }
0x8d: {  	s2 =	sadd.s32 s2, s17  }
0x8e: {  	[smem:$0x3FC6] =	sst s2  }
0x8f: {  	_ = 	snop  }
0x90: {  	s2 =	sld [smem:$0x3FD0];
	(tm) =	ssettm $0x1  }
0x91: {  	s18 =	sld [smem:$0x3FFB];
	_ =	sdelay $0x3  }
0x92: {  	_ =	strace s18  }
0x93: {  	s3 =	sld [smem:$0x3FFC];
	_ =	sdelay $0x3  }
0x94: {  	_ =	strace s3  }
0x95: {  	s3 =	sld [smem:$0x3FFD];
	_ =	sdelay $0x3  }
0x96: {  	_ =	strace s3  }
0x97: {  	_ =	strace $0x8FFFFFFF  }
0x98: {  	s19 =	sld [smem:$0x3FDB];
	_ =	sdelay $0x1  }
0x99: {  	s4 =	simm.s32 $_scs_section_size  }
0x9a: {  	s5 =	simm.s32 $_size__tile_overlayer_lowered;
	s6 =	simm.s32 $_tile_overlayer_lowered  }
0x9b: {  	s22 =	simm.s32 $0x1BFF;
	s21 =	sshll.u32 s6, $0x1;
	s3 =	sadd.s32 s4, s19  }
0x9c: {  	s7 =	simm.s32 $0x0;
	s20 =	sshll.u32 s5, $0x1;
	s5 =	sadd.s32 s21, s3  }
0x9d: {  	[timem:s7], [sflag:s22] =	dma.local [hbm:s5], s20  }
0x9e: {  	_ =	swait.ge [sflag:s22], s20  }
0x9f: {  	s4 =	ssub.s32 $0x0, s20;
	[sflag:s22] =	ssyncset.done $0x0  }
0xa0: {  	[sflag:s22] =	ssyncadd.s32 s4;
	_ =	sdelay $0x1  }
0xa1: {  	s23 =	simm.s32 $0x1B8B  }
0xa2: {  	_ =	swait.ge [sflag:s23], $0x1  }
0xa3: {  	[sflag:s23] =	ssyncset.done $0x0  }
0xa4: {  	s25 =	simm.s32 $0x1B8E;
	s24 =	sld [smem:$0x3FFE];
	[sflag:s23] =	ssyncadd.s32 $0xFFFFFFFF  }
0xa5: {  	s26 =	simm.s32 $execute0_lowered;
	[smem:$0x3FD2] =	sst s25  }
0xa6: {  	s5 =	sshll.u32 s26, $0x1;
	_ =	strace $0x80000046;
	[dreg:$0x1] =	wrdreg $0xFFFFFFFF  }
0xa7: {  	s28 =	simm.s32 $_size_execute0_lowered;
	s3 =	sadd.s32 s3, s5;
	[dreg:$0x0] =	wrdreg $0x0  }
0xa8: {  	s5 =	sshll.u32 s28, $0x1;
	[dreg:$0x2] =	wrdreg s3  }
0xa9: {  	[dreg:$0x3] =	wrdreg s5  }
0xaa: {  	[dreg:$0x4] =	wrdreg $0xC0  }
0xab: {  	_ =	task [dreg:s7], $0x5FFFF  }
0xac: {  	[dreg:$0x1] =	wrdreg $0xFFFFFFFF  }
0xad: {  	[dreg:$0x0] =	wrdreg $0x60  }
0xae: {  	[dreg:$0x2] =	wrdreg s24  }
0xaf: {  	[dreg:$0x3] =	wrdreg s2  }
0xb0: {  	[dreg:$0x4] =	wrdreg $0x9  }
0xb1: {  	_ =	task.clear_ibuf [dreg:s7], $0x5FFFF;
	_ =	strace $0x90000046  }
0xb2: {  	s29 =	simm.s32 $0x9;
	_ =	strace $0x80000048  }
0xb3: {  	_ =	swait.ge [sflag:s29], $0x1  }
0xb4: {  	[sflag:s29] =	ssyncadd.s32 $0xFFFFFFFF  }
0xb5: {  	_ =	strace $0x90000048  }
0xb6: {  	_ =	sfence  }
0xb7: {  	s30 =	sld [smem:$0x0];
	_ =	sdelay $0x2  }
0xb8: {  	s31 =	sshll.u32 s1, $0xD;
	s1 =	sshrl.u32 s1, $0x2  }
0xb9: {  	s3 =	sand.u32 $0x4000, s31;
	s1 =	sadd.s32 s1, s30  }
0xba: {  	s0 =	sor.u32 s3, s0;
	s1 =	sshll.u32 s1, $0x11  }
0xbb: {  	s0 =	sor.u32 s1, s0  }
0xbc: {  	s0 =	sadd.s32 $0x8F2B, s0  }
0xbd: {  	[sflag:s0] =	ssyncadd.remote.s32 $0x1  }
0xbe: {  	_ =	sfence.sel $0xFFFF  }
0xbf: {  	[dreg:$0x0] =	wrdreg $0xFFFFFFFF;
	(pc) =	sbr.abs _section_cstart, $3  }
0xc0: {  	[dreg:$0x1] =	wrdreg $0xFFFFFFFF  }
0xc1: {  	_ =	task.clear_ibuf [dreg:s7], $0x2FFFF;
	_ =	strace $0x9FFFFFFF  }
0xc2: {  	(tm) =	ssettm $0x7FFFFFFF  }
0xc3: {  	_ =	shalt  }
tec
execute0_lowered:
.L_overlay_start_1:
0x0: {  	(tag) =	ssettag $0x1  }
0x1: {  	s0 =	rddreg [dreg:$0x0]  }
0x2: {  	s1 =	rddreg [dreg:$0x1]  }
0x3: {  	s3 =	srdreg.scid;
	s2 =	simm.s32 $0x0;
	s4 =	stileid.u32  }
0x4: {  	s8 =	simm.s32 $0x1000;
	s9 =	simm.s32 $0x2;
	s10 =	simm.s32 $0x1900  }
0x5: {  	s21 =	simm.s32 $0x1100;
	s22 =	simm.s32 $0x1180;
	s23 =	simm.s32 $0x1200  }
0x6: {  	s28 =	simm.s32 $0x1380;
	s29 =	simm.s32 $0x1400;
	s30 =	simm.s32 $0x1480  }
0x7: {  	s31 =	simm.s32 $0x1500;
	s11 =	simm.s32 $0x1680;
	s12 =	simm.s32 $0x1700  }
0x8: {  	s13 =	simm.s32 $0x1780;
	s14 =	simm.s32 $0x1800;
	s15 =	simm.s32 $0x1880  }
0x9: {  	s16 =	simm.s32 $0x2900;
	s17 =	simm.s32 $0x0;
	s3 =	sand.u32 $0x1, s3  }
0xa: {  	[smem:$0x7FF] =	sst s2;
	s4 =	sshll.u32 s4, $0x8;
	s5 =	sshll.u32 s3, $0x7  }
0xb: {  	_ =	strace $0x80000047;
	s24 =	ssub.s32 $0x2, s3;
	s4 =	sor.u32 s5, s4  }
0xc: {  	s3 =	sadd.s32 $0xF42A00, s0;
	s7 =	sshrl.u32 s24, $0x1;
	s6 =	sshrl.u32 s4, $0x3  }
0xd: {  	s25 =	ssub.s32 s24, s7;
	s26 =	sshll.u32 s4, $0x2;
	s7 =	simm.s32 $0x80  }
0xe: {  	s24 =	simm.s32 $0x1280;
	s0 =	sadd.s32 s6, s0;
	s5 =	sadd.s32 s1, s26  }
0xf: {  	s6 =	smax.u32 s25, $0x1;
	s25 =	simm.s32 $0x1;
	s26 =	simm.s32 $0x1300  }
0x10: {  	v0 =	vimm.f32 $0.0e+00;
	s1 =	simm.s32 $0x1600;
	s4 =	sadd.s32 $0x600, s0;
	s0 =	simm.s32 $0x1580  }
.LBB2_1:
0x11: {  	[tilespmem:s2], [sflag:$0x2] =	stream.strided.gather [hbm4b:s4+s7], $0x1900, s8, s7, $0x38;
	[tilespmem:$0x3900] =	vst v63  }
0x12: {  	_ =	swait.ge [sflag:s9], $0x1900  }
0x13: {  	[sflag:s9] =	ssyncset.done $0x0  }
0x14: {  	s18 =	simm.s32 $0x1980;
	[sflag:s9] =	ssyncadd.s32 $0xFFFFE700  }
0x15: {  	[tilespmem:s18+$0xFFFFFF80] =	vst v0  }
0x16: {  	[tilespmem:s18+$0x70] =	vst v0  }
0x17: {  	[tilespmem:s18+$0x60] =	vst v0  }
0x18: {  	[tilespmem:s18+$0x50] =	vst v0  }
0x19: {  	[tilespmem:s18+$0x40] =	vst v0  }
0x1a: {  	[tilespmem:s18+$0x30] =	vst v0  }
0x1b: {  	[tilespmem:s18+$0x20] =	vst v0  }
0x1c: {  	[tilespmem:s18+$0x10] =	vst v0  }
0x1d: {  	[tilespmem:s18+$0x0] =	vst v0  }
0x1e: {  	[tilespmem:s18+$0xFFFFFFF0] =	vst v0  }
0x1f: {  	[tilespmem:s18+$0xFFFFFFE0] =	vst v0  }
0x20: {  	[tilespmem:s18+$0xFFFFFFD0] =	vst v0  }
0x21: {  	[tilespmem:s18+$0xFFFFFFC0] =	vst v0  }
0x22: {  	[tilespmem:s18+$0xFFFFFFB0] =	vst v0  }
0x23: {  	s19 =	simm.s32 $0x0;
	[tilespmem:s18+$0xFFFFFFA0] =	vst v0  }
.LBB2_2:
0x24: {  	s19 =	sadd.s32 $0x8, s19;
	[tilespmem:s18+$0xFFFFFF90] =	vst v0;
	s18 =	sadd.s32 $0x100, s18  }
0x25: {  	[tilespmem:s18+$0xFFFFFF80] =	vst v0;
	p0 =	slt.u32 s19, $0x78  }
0x26: {  	[tilespmem:s18+$0x70] =	vst v0  }
0x27: {  	[tilespmem:s18+$0x60] =	vst v0  }
0x28: {  	[tilespmem:s18+$0x50] =	vst v0  }
0x29: {  	[tilespmem:s18+$0x40] =	vst v0  }
0x2a: {  	[tilespmem:s18+$0x30] =	vst v0  }
0x2b: {  	[tilespmem:s18+$0x20] =	vst v0  }
0x2c: {  	[tilespmem:s18+$0x10] =	vst v0  }
0x2d: {  	[tilespmem:s18+$0x0] =	vst v0  }
0x2e: {  	[tilespmem:s18+$0xFFFFFFF0] =	vst v0  }
.Ltmp0:
0x2f: {  	[tilespmem:s18+$0xFFFFFFE0] =	vst v0;
	(pc) =	sbr.rel @p0 .LBB2_2-.Ltmp0, $4  }
0x30: {  	[tilespmem:s18+$0xFFFFFFD0] =	vst v0  }
0x31: {  	[tilespmem:s18+$0xFFFFFFC0] =	vst v0  }
0x32: {  	[tilespmem:s18+$0xFFFFFFB0] =	vst v0  }
0x33: {  	[tilespmem:s18+$0xFFFFFFA0] =	vst v0  }
0x34: {  	[tilespmem:s18+$0xFFFFFF90] =	vst v0  }
0x35: {  	[tilespmem:s10], [sflag:$0x1] =	stream.indirect.gather.add.f32 [hbm:s3], $0x20, s2, s7, $0xb8;
	[tilespmem:$0x3900] =	vst v63  }
0x36: {  	_ = 	snop  }
0x37: {  	[tilespmem:s10], [sflag:$0x1] =	stream.indirect.gather.add.f32 [hbm:s3], $0x20, s7, s7, $0xb8;
	[tilespmem:$0x3900] =	vst v63  }
0x38: {  	s20 =	simm.s32 $0x100  }
0x39: {  	[tilespmem:s10], [sflag:$0x1] =	stream.indirect.gather.add.f32 [hbm:s3], $0x20, s20, s7, $0xb8;
	[tilespmem:$0x3900] =	vst v63  }
0x3a: {  	s19 =	simm.s32 $0x180  }
0x3b: {  	[tilespmem:s10], [sflag:$0x1] =	stream.indirect.gather.add.f32 [hbm:s3], $0x20, s19, s7, $0xb8;
	[tilespmem:$0x3900] =	vst v63  }
0x3c: {  	s20 =	simm.s32 $0x200  }
0x3d: {  	[tilespmem:s10], [sflag:$0x1] =	stream.indirect.gather.add.f32 [hbm:s3], $0x20, s20, s7, $0xb8;
	[tilespmem:$0x3900] =	vst v63  }
0x3e: {  	s19 =	simm.s32 $0x280  }
0x3f: {  	[tilespmem:s10], [sflag:$0x1] =	stream.indirect.gather.add.f32 [hbm:s3], $0x20, s19, s7, $0xb8;
	[tilespmem:$0x3900] =	vst v63  }
0x40: {  	s20 =	simm.s32 $0x300  }
0x41: {  	[tilespmem:s10], [sflag:$0x1] =	stream.indirect.gather.add.f32 [hbm:s3], $0x20, s20, s7, $0xb8;
	[tilespmem:$0x3900] =	vst v63  }
0x42: {  	s19 =	simm.s32 $0x380  }
0x43: {  	[tilespmem:s10], [sflag:$0x1] =	stream.indirect.gather.add.f32 [hbm:s3], $0x20, s19, s7, $0xb8;
	[tilespmem:$0x3900] =	vst v63  }
0x44: {  	s20 =	simm.s32 $0x400  }
0x45: {  	[tilespmem:s10], [sflag:$0x1] =	stream.indirect.gather.add.f32 [hbm:s3], $0x20, s20, s7, $0xb8;
	[tilespmem:$0x3900] =	vst v63  }
0x46: {  	s19 =	simm.s32 $0x480  }
0x47: {  	[tilespmem:s10], [sflag:$0x1] =	stream.indirect.gather.add.f32 [hbm:s3], $0x20, s19, s7, $0xb8;
	[tilespmem:$0x3900] =	vst v63  }
0x48: {  	s20 =	simm.s32 $0x500  }
0x49: {  	[tilespmem:s10], [sflag:$0x1] =	stream.indirect.gather.add.f32 [hbm:s3], $0x20, s20, s7, $0xb8;
	[tilespmem:$0x3900] =	vst v63  }
0x4a: {  	s19 =	simm.s32 $0x580  }
0x4b: {  	[tilespmem:s10], [sflag:$0x1] =	stream.indirect.gather.add.f32 [hbm:s3], $0x20, s19, s7, $0xb8;
	[tilespmem:$0x3900] =	vst v63  }
0x4c: {  	s20 =	simm.s32 $0x600  }
0x4d: {  	[tilespmem:s10], [sflag:$0x1] =	stream.indirect.gather.add.f32 [hbm:s3], $0x20, s20, s7, $0xb8;
	[tilespmem:$0x3900] =	vst v63  }
0x4e: {  	s19 =	simm.s32 $0x680  }
0x4f: {  	[tilespmem:s10], [sflag:$0x1] =	stream.indirect.gather.add.f32 [hbm:s3], $0x20, s19, s7, $0xb8;
	[tilespmem:$0x3900] =	vst v63  }
0x50: {  	s20 =	simm.s32 $0x700  }
0x51: {  	[tilespmem:s10], [sflag:$0x1] =	stream.indirect.gather.add.f32 [hbm:s3], $0x20, s20, s7, $0xb8;
	[tilespmem:$0x3900] =	vst v63  }
0x52: {  	s19 =	simm.s32 $0x780  }
0x53: {  	[tilespmem:s10], [sflag:$0x1] =	stream.indirect.gather.add.f32 [hbm:s3], $0x20, s19, s7, $0xb8;
	[tilespmem:$0x3900] =	vst v63  }
0x54: {  	_ =	swait.ge [sflag:s25], $0x1000  }
0x55: {  	[sflag:s25] =	ssyncset.done $0x0  }
0x56: {  	s20 =	simm.s32 $0x800;
	[sflag:s25] =	ssyncadd.s32 $0xFFFFF000  }
0x57: {  	[tilespmem:s10], [sflag:$0x1] =	stream.indirect.gather.add.f32 [hbm:s3], $0x20, s20, s7, $0xb8;
	[tilespmem:$0x3900] =	vst v63  }
0x58: {  	_ =	swait.ge [sflag:s25], $0x1000  }
0x59: {  	[sflag:s25] =	ssyncset.done $0x0  }
0x5a: {  	s19 =	simm.s32 $0x880;
	[sflag:s25] =	ssyncadd.s32 $0xFFFFF000  }
0x5b: {  	[tilespmem:s10], [sflag:$0x1] =	stream.indirect.gather.add.f32 [hbm:s3], $0x20, s19, s7, $0xb8;
	[tilespmem:$0x3900] =	vst v63  }
0x5c: {  	_ =	swait.ge [sflag:s25], $0x1000  }
0x5d: {  	[sflag:s25] =	ssyncset.done $0x0  }
0x5e: {  	s20 =	simm.s32 $0x900;
	[sflag:s25] =	ssyncadd.s32 $0xFFFFF000  }
0x5f: {  	[tilespmem:s10], [sflag:$0x1] =	stream.indirect.gather.add.f32 [hbm:s3], $0x20, s20, s7, $0xb8;
	[tilespmem:$0x3900] =	vst v63  }
0x60: {  	_ =	swait.ge [sflag:s25], $0x1000  }
0x61: {  	[sflag:s25] =	ssyncset.done $0x0  }
0x62: {  	s19 =	simm.s32 $0x980;
	[sflag:s25] =	ssyncadd.s32 $0xFFFFF000  }
0x63: {  	[tilespmem:s10], [sflag:$0x1] =	stream.indirect.gather.add.f32 [hbm:s3], $0x20, s19, s7, $0xb8;
	[tilespmem:$0x3900] =	vst v63  }
0x64: {  	_ =	swait.ge [sflag:s25], $0x1000  }
0x65: {  	[sflag:s25] =	ssyncset.done $0x0  }
0x66: {  	s20 =	simm.s32 $0xA00;
	[sflag:s25] =	ssyncadd.s32 $0xFFFFF000  }
0x67: {  	[tilespmem:s10], [sflag:$0x1] =	stream.indirect.gather.add.f32 [hbm:s3], $0x20, s20, s7, $0xb8;
	[tilespmem:$0x3900] =	vst v63  }
0x68: {  	_ =	swait.ge [sflag:s25], $0x1000  }
0x69: {  	[sflag:s25] =	ssyncset.done $0x0  }
0x6a: {  	s19 =	simm.s32 $0xA80;
	[sflag:s25] =	ssyncadd.s32 $0xFFFFF000  }
0x6b: {  	[tilespmem:s10], [sflag:$0x1] =	stream.indirect.gather.add.f32 [hbm:s3], $0x20, s19, s7, $0xb8;
	[tilespmem:$0x3900] =	vst v63  }
0x6c: {  	_ =	swait.ge [sflag:s25], $0x1000  }
0x6d: {  	[sflag:s25] =	ssyncset.done $0x0  }
0x6e: {  	s20 =	simm.s32 $0xB00;
	[sflag:s25] =	ssyncadd.s32 $0xFFFFF000  }
0x6f: {  	[tilespmem:s10], [sflag:$0x1] =	stream.indirect.gather.add.f32 [hbm:s3], $0x20, s20, s7, $0xb8;
	[tilespmem:$0x3900] =	vst v63  }
0x70: {  	_ =	swait.ge [sflag:s25], $0x1000  }
0x71: {  	[sflag:s25] =	ssyncset.done $0x0  }
0x72: {  	s19 =	simm.s32 $0xB80;
	[sflag:s25] =	ssyncadd.s32 $0xFFFFF000  }
0x73: {  	[tilespmem:s10], [sflag:$0x1] =	stream.indirect.gather.add.f32 [hbm:s3], $0x20, s19, s7, $0xb8;
	[tilespmem:$0x3900] =	vst v63  }
0x74: {  	_ =	swait.ge [sflag:s25], $0x1000  }
0x75: {  	[sflag:s25] =	ssyncset.done $0x0  }
0x76: {  	s20 =	simm.s32 $0xC00;
	[sflag:s25] =	ssyncadd.s32 $0xFFFFF000  }
0x77: {  	[tilespmem:s10], [sflag:$0x1] =	stream.indirect.gather.add.f32 [hbm:s3], $0x20, s20, s7, $0xb8;
	[tilespmem:$0x3900] =	vst v63  }
0x78: {  	_ =	swait.ge [sflag:s25], $0x1000  }
0x79: {  	[sflag:s25] =	ssyncset.done $0x0  }
0x7a: {  	s19 =	simm.s32 $0xC80;
	[sflag:s25] =	ssyncadd.s32 $0xFFFFF000  }
0x7b: {  	[tilespmem:s10], [sflag:$0x1] =	stream.indirect.gather.add.f32 [hbm:s3], $0x20, s19, s7, $0xb8;
	[tilespmem:$0x3900] =	vst v63  }
0x7c: {  	_ =	swait.ge [sflag:s25], $0x1000  }
0x7d: {  	[sflag:s25] =	ssyncset.done $0x0  }
0x7e: {  	s20 =	simm.s32 $0xD00;
	[sflag:s25] =	ssyncadd.s32 $0xFFFFF000  }
0x7f: {  	[tilespmem:s10], [sflag:$0x1] =	stream.indirect.gather.add.f32 [hbm:s3], $0x20, s20, s7, $0xb8;
	[tilespmem:$0x3900] =	vst v63  }
0x80: {  	_ =	swait.ge [sflag:s25], $0x1000  }
0x81: {  	[sflag:s25] =	ssyncset.done $0x0  }
0x82: {  	s19 =	simm.s32 $0xD80;
	[sflag:s25] =	ssyncadd.s32 $0xFFFFF000  }
0x83: {  	[tilespmem:s10], [sflag:$0x1] =	stream.indirect.gather.add.f32 [hbm:s3], $0x20, s19, s7, $0xb8;
	[tilespmem:$0x3900] =	vst v63  }
0x84: {  	_ =	swait.ge [sflag:s25], $0x1000  }
0x85: {  	[sflag:s25] =	ssyncset.done $0x0  }
0x86: {  	s20 =	simm.s32 $0xE00;
	[sflag:s25] =	ssyncadd.s32 $0xFFFFF000  }
0x87: {  	[tilespmem:s10], [sflag:$0x1] =	stream.indirect.gather.add.f32 [hbm:s3], $0x20, s20, s7, $0xb8;
	[tilespmem:$0x3900] =	vst v63  }
0x88: {  	_ =	swait.ge [sflag:s25], $0x1000  }
0x89: {  	[sflag:s25] =	ssyncset.done $0x0  }
0x8a: {  	s19 =	simm.s32 $0xE80;
	[sflag:s25] =	ssyncadd.s32 $0xFFFFF000  }
0x8b: {  	[tilespmem:s10], [sflag:$0x1] =	stream.indirect.gather.add.f32 [hbm:s3], $0x20, s19, s7, $0xb8;
	[tilespmem:$0x3900] =	vst v63  }
0x8c: {  	_ =	swait.ge [sflag:s25], $0x1000  }
0x8d: {  	[sflag:s25] =	ssyncset.done $0x0  }
0x8e: {  	s20 =	simm.s32 $0xF00;
	[sflag:s25] =	ssyncadd.s32 $0xFFFFF000  }
0x8f: {  	[tilespmem:s10], [sflag:$0x1] =	stream.indirect.gather.add.f32 [hbm:s3], $0x20, s20, s7, $0xb8;
	[tilespmem:$0x3900] =	vst v63  }
0x90: {  	_ =	swait.ge [sflag:s25], $0x1000  }
0x91: {  	[sflag:s25] =	ssyncset.done $0x0  }
0x92: {  	s19 =	simm.s32 $0xF80;
	[sflag:s25] =	ssyncadd.s32 $0xFFFFF000  }
0x93: {  	[tilespmem:s10], [sflag:$0x1] =	stream.indirect.gather.add.f32 [hbm:s3], $0x20, s19, s7, $0xb8;
	[tilespmem:$0x3900] =	vst v63  }
0x94: {  	_ =	swait.ge [sflag:s25], $0x1000  }
0x95: {  	[sflag:s25] =	ssyncset.done $0x0  }
0x96: {  	[sflag:s25] =	ssyncadd.s32 $0xFFFFF000  }
0x97: {  	[tilespmem:s10], [sflag:$0x1] =	stream.indirect.gather.add.f32 [hbm:s3], $0x20, s8, s7, $0xb8;
	[tilespmem:$0x3900] =	vst v63  }
0x98: {  	_ =	swait.ge [sflag:s25], $0x1000  }
0x99: {  	[sflag:s25] =	ssyncset.done $0x0  }
0x9a: {  	s20 =	simm.s32 $0x1080;
	[sflag:s25] =	ssyncadd.s32 $0xFFFFF000  }
0x9b: {  	[tilespmem:s10], [sflag:$0x1] =	stream.indirect.gather.add.f32 [hbm:s3], $0x20, s20, s7, $0xb8;
	[tilespmem:$0x3900] =	vst v63  }
0x9c: {  	_ =	swait.ge [sflag:s25], $0x1000  }
0x9d: {  	[sflag:s25] =	ssyncset.done $0x0  }
0x9e: {  	[sflag:s25] =	ssyncadd.s32 $0xFFFFF000  }
0x9f: {  	[tilespmem:s10], [sflag:$0x1] =	stream.indirect.gather.add.f32 [hbm:s3], $0x20, s21, s7, $0xb8;
	[tilespmem:$0x3900] =	vst v63  }
0xa0: {  	_ =	swait.ge [sflag:s25], $0x1000  }
0xa1: {  	[sflag:s25] =	ssyncset.done $0x0  }
0xa2: {  	[sflag:s25] =	ssyncadd.s32 $0xFFFFF000  }
0xa3: {  	[tilespmem:s10], [sflag:$0x1] =	stream.indirect.gather.add.f32 [hbm:s3], $0x20, s22, s7, $0xb8;
	[tilespmem:$0x3900] =	vst v63  }
0xa4: {  	_ =	swait.ge [sflag:s25], $0x1000  }
0xa5: {  	[sflag:s25] =	ssyncset.done $0x0  }
0xa6: {  	[sflag:s25] =	ssyncadd.s32 $0xFFFFF000  }
0xa7: {  	[tilespmem:s10], [sflag:$0x1] =	stream.indirect.gather.add.f32 [hbm:s3], $0x20, s23, s7, $0xb8;
	[tilespmem:$0x3900] =	vst v63  }
0xa8: {  	_ =	swait.ge [sflag:s25], $0x1000  }
0xa9: {  	[sflag:s25] =	ssyncset.done $0x0  }
0xaa: {  	[sflag:s25] =	ssyncadd.s32 $0xFFFFF000  }
0xab: {  	[tilespmem:s10], [sflag:$0x1] =	stream.indirect.gather.add.f32 [hbm:s3], $0x20, s24, s7, $0xb8;
	[tilespmem:$0x3900] =	vst v63  }
0xac: {  	_ =	swait.ge [sflag:s25], $0x1000  }
0xad: {  	[sflag:s25] =	ssyncset.done $0x0  }
0xae: {  	[sflag:s25] =	ssyncadd.s32 $0xFFFFF000  }
0xaf: {  	[tilespmem:s10], [sflag:$0x1] =	stream.indirect.gather.add.f32 [hbm:s3], $0x20, s26, s7, $0xb8;
	[tilespmem:$0x3900] =	vst v63  }
0xb0: {  	_ =	swait.ge [sflag:s25], $0x1000  }
0xb1: {  	[sflag:s25] =	ssyncset.done $0x0  }
0xb2: {  	[sflag:s25] =	ssyncadd.s32 $0xFFFFF000  }
0xb3: {  	[tilespmem:s10], [sflag:$0x1] =	stream.indirect.gather.add.f32 [hbm:s3], $0x20, s28, s7, $0xb8;
	[tilespmem:$0x3900] =	vst v63  }
0xb4: {  	_ =	swait.ge [sflag:s25], $0x1000  }
0xb5: {  	[sflag:s25] =	ssyncset.done $0x0  }
0xb6: {  	[sflag:s25] =	ssyncadd.s32 $0xFFFFF000  }
0xb7: {  	[tilespmem:s10], [sflag:$0x1] =	stream.indirect.gather.add.f32 [hbm:s3], $0x20, s29, s7, $0xb8;
	[tilespmem:$0x3900] =	vst v63  }
0xb8: {  	_ =	swait.ge [sflag:s25], $0x1000  }
0xb9: {  	[sflag:s25] =	ssyncset.done $0x0  }
0xba: {  	[sflag:s25] =	ssyncadd.s32 $0xFFFFF000  }
0xbb: {  	[tilespmem:s10], [sflag:$0x1] =	stream.indirect.gather.add.f32 [hbm:s3], $0x20, s30, s7, $0xb8;
	[tilespmem:$0x3900] =	vst v63  }
0xbc: {  	_ =	swait.ge [sflag:s25], $0x1000  }
0xbd: {  	[sflag:s25] =	ssyncset.done $0x0  }
0xbe: {  	[sflag:s25] =	ssyncadd.s32 $0xFFFFF000  }
0xbf: {  	[tilespmem:s10], [sflag:$0x1] =	stream.indirect.gather.add.f32 [hbm:s3], $0x20, s31, s7, $0xb8;
	[tilespmem:$0x3900] =	vst v63  }
0xc0: {  	_ =	swait.ge [sflag:s25], $0x1000  }
0xc1: {  	[sflag:s25] =	ssyncset.done $0x0  }
0xc2: {  	[sflag:s25] =	ssyncadd.s32 $0xFFFFF000  }
0xc3: {  	[tilespmem:s10], [sflag:$0x1] =	stream.indirect.gather.add.f32 [hbm:s3], $0x20, s0, s7, $0xb8;
	[tilespmem:$0x3900] =	vst v63  }
0xc4: {  	_ =	swait.ge [sflag:s25], $0x1000  }
0xc5: {  	[sflag:s25] =	ssyncset.done $0x0  }
0xc6: {  	[sflag:s25] =	ssyncadd.s32 $0xFFFFF000  }
0xc7: {  	[tilespmem:s10], [sflag:$0x1] =	stream.indirect.gather.add.f32 [hbm:s3], $0x20, s1, s7, $0xb8;
	[tilespmem:$0x3900] =	vst v63  }
0xc8: {  	_ =	swait.ge [sflag:s25], $0x1000  }
0xc9: {  	[sflag:s25] =	ssyncset.done $0x0  }
0xca: {  	[sflag:s25] =	ssyncadd.s32 $0xFFFFF000  }
0xcb: {  	[tilespmem:s10], [sflag:$0x1] =	stream.indirect.gather.add.f32 [hbm:s3], $0x20, s11, s7, $0xb8;
	[tilespmem:$0x3900] =	vst v63  }
0xcc: {  	_ =	swait.ge [sflag:s25], $0x1000  }
0xcd: {  	[sflag:s25] =	ssyncset.done $0x0  }
0xce: {  	[sflag:s25] =	ssyncadd.s32 $0xFFFFF000  }
0xcf: {  	[tilespmem:s10], [sflag:$0x1] =	stream.indirect.gather.add.f32 [hbm:s3], $0x20, s12, s7, $0xb8;
	[tilespmem:$0x3900] =	vst v63  }
0xd0: {  	_ =	swait.ge [sflag:s25], $0x1000  }
0xd1: {  	[sflag:s25] =	ssyncset.done $0x0  }
0xd2: {  	[sflag:s25] =	ssyncadd.s32 $0xFFFFF000  }
0xd3: {  	[tilespmem:s10], [sflag:$0x1] =	stream.indirect.gather.add.f32 [hbm:s3], $0x20, s13, s7, $0xb8;
	[tilespmem:$0x3900] =	vst v63  }
0xd4: {  	_ =	swait.ge [sflag:s25], $0x1000  }
0xd5: {  	[sflag:s25] =	ssyncset.done $0x0  }
0xd6: {  	[sflag:s25] =	ssyncadd.s32 $0xFFFFF000  }
0xd7: {  	[tilespmem:s10], [sflag:$0x1] =	stream.indirect.gather.add.f32 [hbm:s3], $0x20, s14, s7, $0xb8;
	[tilespmem:$0x3900] =	vst v63  }
0xd8: {  	_ =	swait.ge [sflag:s25], $0x1000  }
0xd9: {  	[sflag:s25] =	ssyncset.done $0x0  }
0xda: {  	[sflag:s25] =	ssyncadd.s32 $0xFFFFF000  }
0xdb: {  	[tilespmem:s10], [sflag:$0x1] =	stream.indirect.gather.add.f32 [hbm:s3], $0x20, s15, s7, $0xb8;
	[tilespmem:$0x3900] =	vst v63  }
0xdc: {  	_ =	swait.ge [sflag:s25], $0x1000  }
0xdd: {  	[sflag:s25] =	ssyncset.done $0x0  }
0xde: {  	[sflag:s25] =	ssyncadd.s32 $0xFFFFF000  }
0xdf: {  	_ =	swait.ge [sflag:s25], $0x1000  }
0xe0: {  	[sflag:s25] =	ssyncset.done $0x0  }
0xe1: {  	[sflag:s25] =	ssyncadd.s32 $0xFFFFF000  }
0xe2: {  	_ =	swait.ge [sflag:s25], $0x1000  }
0xe3: {  	[sflag:s25] =	ssyncset.done $0x0  }
0xe4: {  	[sflag:s25] =	ssyncadd.s32 $0xFFFFF000  }
0xe5: {  	_ =	swait.ge [sflag:s25], $0x1000  }
0xe6: {  	[sflag:s25] =	ssyncset.done $0x0  }
0xe7: {  	[sflag:s25] =	ssyncadd.s32 $0xFFFFF000  }
0xe8: {  	_ =	swait.ge [sflag:s25], $0x1000  }
0xe9: {  	[sflag:s25] =	ssyncset.done $0x0  }
0xea: {  	[sflag:s25] =	ssyncadd.s32 $0xFFFFF000  }
0xeb: {  	_ =	swait.ge [sflag:s25], $0x1000  }
0xec: {  	[sflag:s25] =	ssyncset.done $0x0  }
0xed: {  	[sflag:s25] =	ssyncadd.s32 $0xFFFFF000  }
0xee: {  	_ =	swait.ge [sflag:s25], $0x1000  }
0xef: {  	[sflag:s25] =	ssyncset.done $0x0  }
0xf0: {  	[sflag:s25] =	ssyncadd.s32 $0xFFFFF000  }
0xf1: {  	_ =	swait.ge [sflag:s25], $0x1000  }
0xf2: {  	[sflag:s25] =	ssyncset.done $0x0  }
0xf3: {  	[sflag:s25] =	ssyncadd.s32 $0xFFFFF000  }
0xf4: {  	_ =	swait.ge [sflag:s25], $0x1000  }
0xf5: {  	[sflag:s25] =	ssyncset.done $0x0  }
0xf6: {  	[sflag:s25] =	ssyncadd.s32 $0xFFFFF000  }
0xf7: {  	_ =	swait.ge [sflag:s25], $0x1000  }
0xf8: {  	[sflag:s25] =	ssyncset.done $0x0  }
0xf9: {  	[sflag:s25] =	ssyncadd.s32 $0xFFFFF000  }
0xfa: {  	_ =	swait.ge [sflag:s25], $0x1000  }
0xfb: {  	[sflag:s25] =	ssyncset.done $0x0  }
0xfc: {  	[sflag:s25] =	ssyncadd.s32 $0xFFFFF000  }
0xfd: {  	_ =	swait.ge [sflag:s25], $0x1000  }
0xfe: {  	[sflag:s25] =	ssyncset.done $0x0  }
0xff: {  	[sflag:s25] =	ssyncadd.s32 $0xFFFFF000  }
0x100: {  	_ =	swait.ge [sflag:s25], $0x1000  }
0x101: {  	[sflag:s25] =	ssyncset.done $0x0  }
0x102: {  	[sflag:s25] =	ssyncadd.s32 $0xFFFFF000  }
0x103: {  	_ =	swait.ge [sflag:s25], $0x1000  }
0x104: {  	[sflag:s25] =	ssyncset.done $0x0  }
0x105: {  	[sflag:s25] =	ssyncadd.s32 $0xFFFFF000  }
0x106: {  	_ =	swait.ge [sflag:s25], $0x1000  }
0x107: {  	[sflag:s25] =	ssyncset.done $0x0  }
0x108: {  	[sflag:s25] =	ssyncadd.s32 $0xFFFFF000  }
0x109: {  	_ =	swait.ge [sflag:s25], $0x1000  }
0x10a: {  	[sflag:s25] =	ssyncset.done $0x0  }
0x10b: {  	s19 =	simm.s32 $0x1980;
	[sflag:s25] =	ssyncadd.s32 $0xFFFFF000  }
0x10c: {  	v1 =	vld [tilespmem:s19+$0xFFFFFF80];
	_ =	sdelay $0x4  }
0x10d: {  	v1 =	vmul.f32 $1.999999960e-02, v1  }
0x10e: {  	s18 =	simm.s32 $0x2980  }
0x10f: {  	[tilespmem:s18+$0xFFFFFF80] =	vst v1  }
0x110: {  	v1 =	vld [tilespmem:s19+$0xFFFFFF90];
	_ =	sdelay $0x4  }
0x111: {  	v1 =	vmul.f32 $1.999999960e-02, v1;
	_ =	sdelay $0x1  }
0x112: {  	[tilespmem:s18+$0xFFFFFF90] =	vst v1  }
0x113: {  	v1 =	vld [tilespmem:s19+$0xFFFFFFA0];
	_ =	sdelay $0x4  }
0x114: {  	v1 =	vmul.f32 $1.999999960e-02, v1;
	_ =	sdelay $0x1  }
0x115: {  	[tilespmem:s18+$0xFFFFFFA0] =	vst v1  }
0x116: {  	v1 =	vld [tilespmem:s19+$0xFFFFFFB0];
	_ =	sdelay $0x4  }
0x117: {  	v1 =	vmul.f32 $1.999999960e-02, v1;
	_ =	sdelay $0x1  }
0x118: {  	[tilespmem:s18+$0xFFFFFFB0] =	vst v1  }
0x119: {  	v1 =	vld [tilespmem:s19+$0xFFFFFFC0];
	_ =	sdelay $0x4  }
0x11a: {  	v1 =	vmul.f32 $1.999999960e-02, v1;
	_ =	sdelay $0x1  }
0x11b: {  	[tilespmem:s18+$0xFFFFFFC0] =	vst v1  }
0x11c: {  	v1 =	vld [tilespmem:s19+$0xFFFFFFD0];
	_ =	sdelay $0x4  }
0x11d: {  	v1 =	vmul.f32 $1.999999960e-02, v1;
	_ =	sdelay $0x1  }
0x11e: {  	[tilespmem:s18+$0xFFFFFFD0] =	vst v1  }
0x11f: {  	v1 =	vld [tilespmem:s19+$0xFFFFFFE0];
	_ =	sdelay $0x4  }
0x120: {  	v1 =	vmul.f32 $1.999999960e-02, v1;
	_ =	sdelay $0x1  }
0x121: {  	[tilespmem:s18+$0xFFFFFFE0] =	vst v1  }
0x122: {  	v1 =	vld [tilespmem:s19+$0xFFFFFFF0];
	_ =	sdelay $0x4  }
0x123: {  	v1 =	vmul.f32 $1.999999960e-02, v1;
	_ =	sdelay $0x1  }
0x124: {  	[tilespmem:s18+$0xFFFFFFF0] =	vst v1  }
0x125: {  	v1 =	vld [tilespmem:s19+$0x0];
	_ =	sdelay $0x4  }
0x126: {  	v1 =	vmul.f32 $1.999999960e-02, v1;
	_ =	sdelay $0x1  }
0x127: {  	[tilespmem:s18+$0x0] =	vst v1  }
0x128: {  	v1 =	vld [tilespmem:s19+$0x10];
	_ =	sdelay $0x4  }
0x129: {  	v1 =	vmul.f32 $1.999999960e-02, v1;
	_ =	sdelay $0x1  }
0x12a: {  	[tilespmem:s18+$0x10] =	vst v1  }
0x12b: {  	v1 =	vld [tilespmem:s19+$0x20];
	_ =	sdelay $0x4  }
0x12c: {  	v1 =	vmul.f32 $1.999999960e-02, v1;
	_ =	sdelay $0x1  }
0x12d: {  	[tilespmem:s18+$0x20] =	vst v1  }
0x12e: {  	v1 =	vld [tilespmem:s19+$0x30];
	_ =	sdelay $0x4  }
0x12f: {  	v1 =	vmul.f32 $1.999999960e-02, v1;
	_ =	sdelay $0x1  }
0x130: {  	[tilespmem:s18+$0x30] =	vst v1  }
0x131: {  	v1 =	vld [tilespmem:s19+$0x40];
	_ =	sdelay $0x4  }
0x132: {  	v1 =	vmul.f32 $1.999999960e-02, v1;
	_ =	sdelay $0x1  }
0x133: {  	[tilespmem:s18+$0x40] =	vst v1  }
0x134: {  	v1 =	vld [tilespmem:s19+$0x50];
	_ =	sdelay $0x4  }
0x135: {  	v1 =	vmul.f32 $1.999999960e-02, v1;
	_ =	sdelay $0x1  }
0x136: {  	[tilespmem:s18+$0x50] =	vst v1  }
0x137: {  	v1 =	vld [tilespmem:s19+$0x60];
	_ =	sdelay $0x4  }
0x138: {  	v1 =	vmul.f32 $1.999999960e-02, v1;
	_ =	sdelay $0x1  }
0x139: {  	[tilespmem:s18+$0x60] =	vst v1  }
0x13a: {  	v1 =	vld [tilespmem:s19+$0x70];
	_ =	sdelay $0x4  }
0x13b: {  	v1 =	vmul.f32 $1.999999960e-02, v1;
	_ =	sdelay $0x1  }
0x13c: {  	s20 =	simm.s32 $0x1A80;
	s19 =	simm.s32 $0x0;
	[tilespmem:s18+$0x70] =	vst v1  }
.LBB2_4:
0x13d: {  	v1 =	vld [tilespmem:s20+$0xFFFFFF80];
	s19 =	sadd.s32 $0x8, s19  }
0x13e: {  	p0 =	slt.u32 s19, $0x78;
	_ =	sdelay $0x3  }
0x13f: {  	v1 =	vmul.f32 $1.999999960e-02, v1  }
0x140: {  	s18 =	sadd.s32 $0x100, s18  }
0x141: {  	[tilespmem:s18+$0xFFFFFF80] =	vst v1  }
0x142: {  	v1 =	vld [tilespmem:s20+$0xFFFFFF90];
	_ =	sdelay $0x4  }
0x143: {  	v1 =	vmul.f32 $1.999999960e-02, v1;
	_ =	sdelay $0x1  }
0x144: {  	[tilespmem:s18+$0xFFFFFF90] =	vst v1  }
0x145: {  	v1 =	vld [tilespmem:s20+$0xFFFFFFA0];
	_ =	sdelay $0x4  }
0x146: {  	v1 =	vmul.f32 $1.999999960e-02, v1;
	_ =	sdelay $0x1  }
0x147: {  	[tilespmem:s18+$0xFFFFFFA0] =	vst v1  }
0x148: {  	v1 =	vld [tilespmem:s20+$0xFFFFFFB0];
	_ =	sdelay $0x4  }
0x149: {  	v1 =	vmul.f32 $1.999999960e-02, v1;
	_ =	sdelay $0x1  }
0x14a: {  	[tilespmem:s18+$0xFFFFFFB0] =	vst v1  }
0x14b: {  	v1 =	vld [tilespmem:s20+$0xFFFFFFC0];
	_ =	sdelay $0x4  }
0x14c: {  	v1 =	vmul.f32 $1.999999960e-02, v1;
	_ =	sdelay $0x1  }
0x14d: {  	[tilespmem:s18+$0xFFFFFFC0] =	vst v1  }
0x14e: {  	v1 =	vld [tilespmem:s20+$0xFFFFFFD0];
	_ =	sdelay $0x4  }
0x14f: {  	v1 =	vmul.f32 $1.999999960e-02, v1;
	_ =	sdelay $0x1  }
0x150: {  	[tilespmem:s18+$0xFFFFFFD0] =	vst v1  }
0x151: {  	v1 =	vld [tilespmem:s20+$0xFFFFFFE0];
	_ =	sdelay $0x4  }
0x152: {  	v1 =	vmul.f32 $1.999999960e-02, v1;
	_ =	sdelay $0x1  }
0x153: {  	[tilespmem:s18+$0xFFFFFFE0] =	vst v1  }
0x154: {  	v1 =	vld [tilespmem:s20+$0xFFFFFFF0];
	_ =	sdelay $0x4  }
0x155: {  	v1 =	vmul.f32 $1.999999960e-02, v1;
	_ =	sdelay $0x1  }
0x156: {  	[tilespmem:s18+$0xFFFFFFF0] =	vst v1  }
0x157: {  	v1 =	vld [tilespmem:s20+$0x0];
	_ =	sdelay $0x4  }
0x158: {  	v1 =	vmul.f32 $1.999999960e-02, v1;
	_ =	sdelay $0x1  }
0x159: {  	[tilespmem:s18+$0x0] =	vst v1  }
0x15a: {  	v1 =	vld [tilespmem:s20+$0x10];
	_ =	sdelay $0x4  }
0x15b: {  	v1 =	vmul.f32 $1.999999960e-02, v1;
	_ =	sdelay $0x1  }
0x15c: {  	[tilespmem:s18+$0x10] =	vst v1  }
0x15d: {  	v1 =	vld [tilespmem:s20+$0x20];
	_ =	sdelay $0x4  }
0x15e: {  	v1 =	vmul.f32 $1.999999960e-02, v1;
	_ =	sdelay $0x1  }
0x15f: {  	[tilespmem:s18+$0x20] =	vst v1  }
0x160: {  	v1 =	vld [tilespmem:s20+$0x30];
	_ =	sdelay $0x4  }
0x161: {  	v1 =	vmul.f32 $1.999999960e-02, v1;
	_ =	sdelay $0x1  }
0x162: {  	[tilespmem:s18+$0x30] =	vst v1  }
0x163: {  	v1 =	vld [tilespmem:s20+$0x40];
	_ =	sdelay $0x4  }
0x164: {  	v1 =	vmul.f32 $1.999999960e-02, v1;
	_ =	sdelay $0x1  }
0x165: {  	[tilespmem:s18+$0x40] =	vst v1  }
0x166: {  	v1 =	vld [tilespmem:s20+$0x50];
	_ =	sdelay $0x4  }
0x167: {  	v1 =	vmul.f32 $1.999999960e-02, v1;
	_ =	sdelay $0x1  }
0x168: {  	[tilespmem:s18+$0x50] =	vst v1  }
0x169: {  	v1 =	vld [tilespmem:s20+$0x60];
	_ =	sdelay $0x4  }
0x16a: {  	v1 =	vmul.f32 $1.999999960e-02, v1;
	_ =	sdelay $0x1  }
0x16b: {  	[tilespmem:s18+$0x60] =	vst v1  }
0x16c: {  	v1 =	vld [tilespmem:s20+$0x70];
	_ =	sdelay $0x2  }
.Ltmp1:
0x16d: {  	(pc) =	sbr.rel @p0 .LBB2_4-.Ltmp1, $3  }
0x16e: {  	_ = 	snop  }
0x16f: {  	v1 =	vmul.f32 $1.999999960e-02, v1;
	_ =	sdelay $0x1  }
0x170: {  	s20 =	sadd.s32 $0x100, s20;
	[tilespmem:s18+$0x70] =	vst v1  }
0x171: {  	s17 =	sadd.s32 $0x1, s17  }
0x172: {  	p0 =	sne.s32 s17, s6  }
.Ltmp2:
0x173: {  	_ = 	snop;
	(pc) =	sbr.rel @p0 .LBB2_1-.Ltmp2, $4  }
0x174: {  	[hbm4b:s5+s2] =	stream.linear.scatter [tilespmem:s16], [sflag:$0x2], $0x1000, $0x38;
	[tilespmem:$0x3900] =	vst v63  }
0x175: {  	_ =	swait.ge [sflag:s9], $0x1000  }
0x176: {  	[sflag:s9] =	ssyncset.done $0x0  }
0x177: {  	[sflag:s9] =	ssyncadd.s32 $0xFFFFF000  }
0x178: {  	_ =	sfence.sel $0x180000  }
0x179: {  	[bflag:$0x0] =	sbarrier.arrive $0xFFFF  }
0x17a: {  	_ =	strace $0x90000047  }
0x17b: {  	s0 =	stileid.u32;
	[bflag:$0x2] =	sbarrier.arrive $0xFFFF  }
0x17c: {  	p0 =	sne.s32 s0, $0x0;
	s0 =	rddreg [dreg:$0x2]  }
0x17d: {  	s0 =	sadd.s32 @!p0 $0x100000, s0  }
0x17e: {  	[sflag:s0] =	ssyncadd.tile.s32 @!p0 $0x1;
	_ =	shalt  }
.Lfunc_end2:
_tile_overlayer_lowered:
.L_overlay_start_2:
0x17f: {  	(tag) =	ssettag $0x2  }
0x180: {  	s0 =	rddreg [dreg:$0x0];
	s2 =	stileid.u32  }
0x181: {  	s1 =	rddreg [dreg:$0x1];
	p0 =	sne.s32 s2, $0x0  }
0x182: {  	s3 =	rddreg [dreg:$0x2];
	[bflag:$0x3] =	sbarrier.arrive $0xFFFF;
	s2 =	simm.s32 @!p0 $0x1C02  }
0x183: {  	[timem:s3], [sflag:s2] =	dma.local @!p0 [hbm:s0], s1  }
0x184: {  	s0 =	simm.s32 @!p0 $0x2  }
0x185: {  	_ =	swait.ge @!p0 [sflag:s0], s1  }
0x186: {  	s1 =	ssub.s32 @!p0 $0x0, s1;
	[sflag:s0] =	ssyncset.done @!p0 $0x0  }
0x187: {  	[sflag:s0] =	ssyncadd.s32 @!p0 s1  }
0x188: {  	[bflag:$0x3] =	sbarrier.arrive $0xFFFF  }
0x189: {  	_ =	shalt  }

</sc_bundles>
